<compile_context>
chip_gen: v7x
topology: tpu7x:2x2x1
jax: 0.10.2.dev20260603
libtpu: 0.0.44.dev20260713+nightly
codegen_flags: <defaults>
</compile_context>

<pallas_src>
import functools

import jax
import jax.numpy as jnp
from jax import lax
from jax.experimental import pallas as pl
from jax.experimental.pallas import tpu as pltpu
from jax.experimental.pallas import tpu_sc as plsc


def _make_sc_kernel(Lx, Nx, M):
    D = Lx - 2
    LANES = 16
    PER_W = D * LANES
    CH = 80
    NCH = PER_W // CH
    assert PER_W % CH == 0 and CH % 8 == 0

    mesh = plsc.VectorSubcoreMesh(core_axis_name="c", subcore_axis_name="s")

    @functools.partial(
        pl.kernel,
        mesh=mesh,
        out_type=[
            jax.ShapeDtypeStruct((LANES, LANES), jnp.float32),
            jax.ShapeDtypeStruct((LANES, LANES), jnp.float32),
        ],
        scratch_types=[
            pltpu.VMEM((D, LANES), jnp.int32),
            pltpu.VMEM((PER_W,), jnp.int32),
            pltpu.VMEM((PER_W,), jnp.float32),
            pltpu.VMEM((PER_W,), jnp.float32),
            pltpu.VMEM((LANES,), jnp.float32),
            pltpu.VMEM((LANES,), jnp.float32),
            pltpu.SemaphoreType.DMA,
        ],
    )
    def crit_kernel(inp_hbm, seqr_hbm, osum_hbm, ocnt_hbm, seq_v, idx_v,
                    msk_v, val_v, acc_v, cnt_v, sem):
        c = lax.axis_index("c")
        s = lax.axis_index("s")

        @pl.when(c == 0)
        def _core0():
            pltpu.sync_copy(seqr_hbm.at[s], seq_v)
            lanes = lax.iota(jnp.int32, LANES)
            colbase = (s * LANES + lanes) * M
            seen = lanes * 0
            for t in range(D):
                sv = seq_v[t, :]
                nz = jnp.minimum(sv, 1)
                first0 = (1 - nz) * (1 - seen)
                seen = jnp.maximum(seen, 1 - nz)
                eff = sv + first0 * (M - 1)
                off = (t + 1) * Nx * M + colbase + eff
                mskf = jnp.minimum(eff, 1).astype(jnp.float32)
                idx_v[pl.ds(t * LANES, LANES)] = off
                msk_v[pl.ds(t * LANES, LANES)] = mskf

            copies = [
                pltpu.async_copy(
                    inp_hbm.at[idx_v.at[pl.ds(k * CH, CH)]],
                    val_v.at[pl.ds(k * CH, CH)],
                    sem,
                )
                for k in range(NCH)
            ]
            for cp in copies:
                cp.wait()

            acc = None
            cnt = None
            for t in range(D):
                vals = val_v[pl.ds(t * LANES, LANES)]
                m = msk_v[pl.ds(t * LANES, LANES)]
                term = vals * m
                acc = term if acc is None else acc + term
                cnt = m if cnt is None else cnt + m
            acc_v[...] = acc
            cnt_v[...] = cnt
            pltpu.sync_copy(acc_v, osum_hbm.at[s])
            pltpu.sync_copy(cnt_v, ocnt_hbm.at[s])

    return crit_kernel


def _fold_kernel(sum_ref, cnt_ref, out_ref):
    total = jnp.sum(sum_ref[...])
    count = jnp.sum(cnt_ref[...])
    out_ref[...] = jnp.full((1, 1), -(total / count), jnp.float32)


def kernel(input, seq):
    Lx, Nx, M = input.shape
    D = Lx - 2
    inp_flat = input.reshape(-1)
    seqr = seq.reshape(D, Nx // 16, 16).transpose(1, 0, 2)
    psum, pcnt = _make_sc_kernel(Lx, Nx, M)(inp_flat, seqr)
    loss = pl.pallas_call(
        _fold_kernel,
        out_shape=jax.ShapeDtypeStruct((1, 1), jnp.float32),
    )(psum, pcnt)
    return loss[0, 0]

# --- scband reference (transcript-rebuilt; emitter-appended) ---
"""Pipeline reference for scband-crit-30640296690012 (READ-ONLY COPY).

The authoritative reference and input builder live on the scoring server;
editing this copy changes nothing except your own understanding.
"""

import jax, jax.numpy as jnp
import numpy as np

L, N, Mp1 = 22, 256, 10000
D = L - 2

def setup_inputs(seed: int = 0) -> dict:
    key = jax.random.key(seed)
    k1, k2 = jax.random.split(key)
    inp = jax.random.normal(k1, (L, N, Mp1), dtype=jnp.float32)
    seq = jax.random.randint(k2, (D, N), 0, Mp1, dtype=jnp.int32)
    return {"input": inp, "seq": seq}

def reference(input, seq):
    # Faithful vectorization of the per-(b,t) python loops.
    # t runs over range(1, L-1); since D == L-2, t-1 in [0, D-1] so the
    # (t-1 > D) branch is never taken and target is always seq[t-1, b].
    Lx, Nx, M = input.shape
    is_zero = (seq == 0)
    # first_time logic: the FIRST zero target per batch column becomes Mp1-1 (END token),
    # all later zeros are skipped.
    first_zero = is_zero & (jnp.cumsum(is_zero.astype(jnp.int32), axis=0) == 1)
    eff_target = jnp.where(first_zero, M - 1, seq)
    mask = (eff_target != 0)  # positions contributing to loss
    inner = input[1:Lx - 1]  # [D, N, M], rows t=1..L-2
    gathered = jnp.take_along_axis(inner, eff_target[..., None], axis=2)[..., 0]  # [D, N]
    n = mask.sum()
    loss = -(gathered * mask.astype(input.dtype)).sum() / n
    return loss

if __name__ == "__main__":
    import jax
    _d = setup_inputs()
    print(jax.jit(kernel)(*tuple(_d.values())))

</pallas_src>

<mosaic_0001>
#map = affine_map<(d0, d1) -> (0)>
#map1 = affine_map<(d0, d1) -> (0, 0, 0)>
#map2 = affine_map<(d0, d1) -> (0, 0)>
module attributes {stable_mosaic.version = 14 : i64} {
  func.func @crit_kernel(%arg0: i32, %arg1: i32, %arg2: memref<56320000xf32, #tpu.memory_space<hbm>>, %arg3: memref<16x20x16xi32, #tpu.memory_space<hbm>>, %arg4: memref<16x16xf32, #tpu.memory_space<hbm>>, %arg5: memref<16x16xf32, #tpu.memory_space<hbm>>, %arg6: memref<20x16xi32, #tpu.memory_space<vmem>>, %arg7: memref<320xi32, #tpu.memory_space<vmem>>, %arg8: memref<320xf32, #tpu.memory_space<vmem>>, %arg9: memref<320xf32, #tpu.memory_space<vmem>>, %arg10: memref<16xf32, #tpu.memory_space<vmem>>, %arg11: memref<16xf32, #tpu.memory_space<vmem>>, %arg12: memref<!tpu.dma_semaphore, #tpu.memory_space<semaphore_mem>>) attributes {dimension_semantics = [#tpu.dimension_semantics<core_parallel>, #tpu.dimension_semantics<subcore_parallel>], iteration_bounds = array<i64: 2, 16>, scalar_prefetch = 0 : i64, scratch_operands = 7 : i64, tpu.core_type = #tpu.core_type<sc_vector_subcore>, window_params = [{transform_indices = #map}, {transform_indices = #map1}, {transform_indices = #map2}, {transform_indices = #map2}]} {
    %eq3A = arith.constant 0 : i32
    %eq3A_0 = arith.cmpi eq, %arg0, %eq3A : i32
    %convert_element_type3A = arith.extui %eq3A_0 : i1 to i32
    %cond3A = arith.constant 0 : i32
    %cond3A_1 = arith.cmpi ne, %convert_element_type3A, %cond3A : i32
    scf.if %cond3A_1 {
      "tpu.region"() ({
        %run_scoped3A = tpu.sem_alloc : memref<!tpu.dma_semaphore, #tpu.memory_space<semaphore_mem>>
        %dma_start3A_1017 = arith.constant 0 : i32
        %dma_start3A_1018 = arith.constant 0 : i32
        %dma_start3A_1019 = tpu.memref_slice %arg3[%arg1, %dma_start3A_1017, %dma_start3A_1018] : memref<16x20x16xi32, #tpu.memory_space<hbm>> -> memref<1x20x16xi32, #tpu.memory_space<hbm>>
        %dma_start3A_1020 = tpu.memref_squeeze %dma_start3A_1019 : memref<1x20x16xi32, #tpu.memory_space<hbm>> -> memref<20x16xi32, #tpu.memory_space<hbm>>
        %dma_start3A_1021 = arith.constant 0 : i32
        %dma_start3A_1022 = arith.constant 0 : i32
        %dma_start3A_1023 = tpu.memref_slice %arg3[%arg1, %dma_start3A_1021, %dma_start3A_1022] : memref<16x20x16xi32, #tpu.memory_space<hbm>> -> memref<1x20x16xi32, #tpu.memory_space<hbm>>
        %dma_start3A_1024 = tpu.memref_squeeze %dma_start3A_1023 : memref<1x20x16xi32, #tpu.memory_space<hbm>> -> memref<20x16xi32, #tpu.memory_space<hbm>>
        tpu.enqueue_dma source(%dma_start3A_1024 : memref<20x16xi32, #tpu.memory_space<hbm>>) target(%arg6 : memref<20x16xi32, #tpu.memory_space<vmem>>) target_semaphore(%run_scoped3A : memref<!tpu.dma_semaphore, #tpu.memory_space<semaphore_mem>>)
        %dma_wait3A_1025 = arith.constant 0 : i32
        %dma_wait3A_1026 = arith.constant 0 : i32
        %dma_wait3A_1027 = tpu.memref_slice %arg3[%arg1, %dma_wait3A_1025, %dma_wait3A_1026] : memref<16x20x16xi32, #tpu.memory_space<hbm>> -> memref<1x20x16xi32, #tpu.memory_space<hbm>>
        %dma_wait3A_1028 = tpu.memref_squeeze %dma_wait3A_1027 : memref<1x20x16xi32, #tpu.memory_space<hbm>> -> memref<20x16xi32, #tpu.memory_space<hbm>>
        %dma_wait3A_1029 = arith.constant 0 : i32
        %dma_wait3A_1030 = arith.constant 0 : i32
        %dma_wait3A_1031 = tpu.memref_slice %arg3[%arg1, %dma_wait3A_1029, %dma_wait3A_1030] : memref<16x20x16xi32, #tpu.memory_space<hbm>> -> memref<1x20x16xi32, #tpu.memory_space<hbm>>
        %dma_wait3A_1032 = tpu.memref_squeeze %dma_wait3A_1031 : memref<1x20x16xi32, #tpu.memory_space<hbm>> -> memref<20x16xi32, #tpu.memory_space<hbm>>
        tpu.wait_dma2 semaphore(%run_scoped3A : memref<!tpu.dma_semaphore, #tpu.memory_space<semaphore_mem>>) src(%dma_wait3A_1032 : memref<20x16xi32, #tpu.memory_space<hbm>>) dst(%arg6 : memref<20x16xi32, #tpu.memory_space<vmem>>)
        tpu.yield
      }) : () -> ()
      %iota3A = tpu.iota {dimensions = array<i32: 0>} : vector<16xi32>
      %mul3A = arith.constant 16 : i32
      %mul3A_2 = arith.muli %arg1, %mul3A : i32
      %add3A = vector.broadcast %mul3A_2 : i32 to vector<16xi32>
      %add3A_3 = arith.addi %add3A, %iota3A : vector<16xi32>
      %mul3A_4 = arith.constant 10000 : i32
      %mul3A_5 = vector.broadcast %mul3A_4 : i32 to vector<16xi32>
      %mul3A_6 = arith.muli %add3A_3, %mul3A_5 : vector<16xi32>
      %mul3A_7 = arith.constant 0 : i32
      %mul3A_8 = vector.broadcast %mul3A_7 : i32 to vector<16xi32>
      %mul3A_9 = arith.muli %iota3A, %mul3A_8 : vector<16xi32>
      %get3A = arith.constant 0 : i32
      %get3A_10 = arith.index_cast %get3A : i32 to index
      %get3A_11 = arith.constant 0 : index
      %get3A_12 = tpu.vector_load %arg6[%get3A_10, %get3A_11] {strides = array<i32>} : memref<20x16xi32, #tpu.memory_space<vmem>>, vector<1x16xi32>,
      %get3A_13 = vector.shape_cast %get3A_12 : vector<1x16xi32> to vector<16xi32>
      %min3A = arith.constant 1 : i32
      %min3A_14 = vector.broadcast %min3A : i32 to vector<16xi32>
      %min3A_15 = arith.minsi %get3A_13, %min3A_14 : vector<16xi32>
      %sub3A = arith.constant 1 : i32
      %sub3A_16 = vector.broadcast %sub3A : i32 to vector<16xi32>
      %sub3A_17 = arith.subi %sub3A_16, %min3A_15 : vector<16xi32>
      %sub3A_18 = arith.constant 1 : i32
      %sub3A_19 = vector.broadcast %sub3A_18 : i32 to vector<16xi32>
      %sub3A_20 = arith.subi %sub3A_19, %mul3A_9 : vector<16xi32>
      %mul3A_21 = arith.muli %sub3A_17, %sub3A_20 : vector<16xi32>
      %sub3A_22 = arith.constant 1 : i32
      %sub3A_23 = vector.broadcast %sub3A_22 : i32 to vector<16xi32>
      %sub3A_24 = arith.subi %sub3A_23, %min3A_15 : vector<16xi32>
      %max3A = arith.maxsi %mul3A_9, %sub3A_24 : vector<16xi32>
      %mul3A_25 = arith.constant 9999 : i32
      %mul3A_26 = vector.broadcast %mul3A_25 : i32 to vector<16xi32>
      %mul3A_27 = arith.muli %mul3A_21, %mul3A_26 : vector<16xi32>
      %add3A_28 = arith.addi %get3A_13, %mul3A_27 : vector<16xi32>
      %add3A_29 = arith.constant 2560000 : i32
      %add3A_30 = vector.broadcast %add3A_29 : i32 to vector<16xi32>
      %add3A_31 = arith.addi %add3A_30, %mul3A_6 : vector<16xi32>
      %add3A_32 = arith.addi %add3A_31, %add3A_28 : vector<16xi32>
      %min3A_33 = arith.constant 1 : i32
      %min3A_34 = vector.broadcast %min3A_33 : i32 to vector<16xi32>
      %min3A_35 = arith.minsi %add3A_28, %min3A_34 : vector<16xi32>
      %convert_element_type3A_36 = arith.sitofp %min3A_35 : vector<16xi32> to vector<16xf32>
      %swap3A = arith.constant 0 : index
      %swap3A_37 = tpu.vector_load %arg7[%swap3A] {strides = array<i32>} : memref<320xi32, #tpu.memory_space<vmem>>, vector<16xi32>,
      %swap3A_38 = vector.shape_cast %swap3A_37 : vector<16xi32> to vector<16xi32>
      %swap3A_39 = vector.shape_cast %add3A_32 : vector<16xi32> to vector<16xi32>
      tpu.vector_store %arg7[%swap3A], %swap3A_39 {strides = array<i32>} : memref<320xi32, #tpu.memory_space<vmem>>, vector<16xi32>,
      %swap3A_40 = arith.constant 0 : index
      %swap3A_41 = tpu.vector_load %arg8[%swap3A_40] {strides = array<i32>} : memref<320xf32, #tpu.memory_space<vmem>>, vector<16xf32>,
      %swap3A_42 = vector.shape_cast %swap3A_41 : vector<16xf32> to vector<16xf32>
      %swap3A_43 = vector.shape_cast %convert_element_type3A_36 : vector<16xf32> to vector<16xf32>
      tpu.vector_store %arg8[%swap3A_40], %swap3A_43 {strides = array<i32>} : memref<320xf32, #tpu.memory_space<vmem>>, vector<16xf32>,
      %get3A_44 = arith.constant 1 : i32
      %get3A_45 = arith.index_cast %get3A_44 : i32 to index
      %get3A_46 = arith.constant 0 : index
      %get3A_47 = tpu.vector_load %arg6[%get3A_45, %get3A_46] {strides = array<i32>} : memref<20x16xi32, #tpu.memory_space<vmem>>, vector<1x16xi32>,
      %get3A_48 = vector.shape_cast %get3A_47 : vector<1x16xi32> to vector<16xi32>
      %min3A_49 = arith.constant 1 : i32
      %min3A_50 = vector.broadcast %min3A_49 : i32 to vector<16xi32>
      %min3A_51 = arith.minsi %get3A_48, %min3A_50 : vector<16xi32>
      %sub3A_52 = arith.constant 1 : i32
      %sub3A_53 = vector.broadcast %sub3A_52 : i32 to vector<16xi32>
      %sub3A_54 = arith.subi %sub3A_53, %min3A_51 : vector<16xi32>
      %sub3A_55 = arith.constant 1 : i32
      %sub3A_56 = vector.broadcast %sub3A_55 : i32 to vector<16xi32>
      %sub3A_57 = arith.subi %sub3A_56, %max3A : vector<16xi32>
      %mul3A_58 = arith.muli %sub3A_54, %sub3A_57 : vector<16xi32>
      %sub3A_59 = arith.constant 1 : i32
      %sub3A_60 = vector.broadcast %sub3A_59 : i32 to vector<16xi32>
      %sub3A_61 = arith.subi %sub3A_60, %min3A_51 : vector<16xi32>
      %max3A_62 = arith.maxsi %max3A, %sub3A_61 : vector<16xi32>
      %mul3A_63 = arith.constant 9999 : i32
      %mul3A_64 = vector.broadcast %mul3A_63 : i32 to vector<16xi32>
      %mul3A_65 = arith.muli %mul3A_58, %mul3A_64 : vector<16xi32>
      %add3A_66 = arith.addi %get3A_48, %mul3A_65 : vector<16xi32>
      %add3A_67 = arith.constant 5120000 : i32
      %add3A_68 = vector.broadcast %add3A_67 : i32 to vector<16xi32>
      %add3A_69 = arith.addi %add3A_68, %mul3A_6 : vector<16xi32>
      %add3A_70 = arith.addi %add3A_69, %add3A_66 : vector<16xi32>
      %min3A_71 = arith.constant 1 : i32
      %min3A_72 = vector.broadcast %min3A_71 : i32 to vector<16xi32>
      %min3A_73 = arith.minsi %add3A_66, %min3A_72 : vector<16xi32>
      %convert_element_type3A_74 = arith.sitofp %min3A_73 : vector<16xi32> to vector<16xf32>
      %swap3A_75 = arith.constant 16 : index
      %swap3A_76 = tpu.vector_load %arg7[%swap3A_75] {strides = array<i32>} : memref<320xi32, #tpu.memory_space<vmem>>, vector<16xi32>,
      %swap3A_77 = vector.shape_cast %swap3A_76 : vector<16xi32> to vector<16xi32>
      %swap3A_78 = vector.shape_cast %add3A_70 : vector<16xi32> to vector<16xi32>
      tpu.vector_store %arg7[%swap3A_75], %swap3A_78 {strides = array<i32>} : memref<320xi32, #tpu.memory_space<vmem>>, vector<16xi32>,
      %swap3A_79 = arith.constant 16 : index
      %swap3A_80 = tpu.vector_load %arg8[%swap3A_79] {strides = array<i32>} : memref<320xf32, #tpu.memory_space<vmem>>, vector<16xf32>,
      %swap3A_81 = vector.shape_cast %swap3A_80 : vector<16xf32> to vector<16xf32>
      %swap3A_82 = vector.shape_cast %convert_element_type3A_74 : vector<16xf32> to vector<16xf32>
      tpu.vector_store %arg8[%swap3A_79], %swap3A_82 {strides = array<i32>} : memref<320xf32, #tpu.memory_space<vmem>>, vector<16xf32>,
      %get3A_83 = arith.constant 2 : i32
      %get3A_84 = arith.index_cast %get3A_83 : i32 to index
      %get3A_85 = arith.constant 0 : index
      %get3A_86 = tpu.vector_load %arg6[%get3A_84, %get3A_85] {strides = array<i32>} : memref<20x16xi32, #tpu.memory_space<vmem>>, vector<1x16xi32>,
      %get3A_87 = vector.shape_cast %get3A_86 : vector<1x16xi32> to vector<16xi32>
      %min3A_88 = arith.constant 1 : i32
      %min3A_89 = vector.broadcast %min3A_88 : i32 to vector<16xi32>
      %min3A_90 = arith.minsi %get3A_87, %min3A_89 : vector<16xi32>
      %sub3A_91 = arith.constant 1 : i32
      %sub3A_92 = vector.broadcast %sub3A_91 : i32 to vector<16xi32>
      %sub3A_93 = arith.subi %sub3A_92, %min3A_90 : vector<16xi32>
      %sub3A_94 = arith.constant 1 : i32
      %sub3A_95 = vector.broadcast %sub3A_94 : i32 to vector<16xi32>
      %sub3A_96 = arith.subi %sub3A_95, %max3A_62 : vector<16xi32>
      %mul3A_97 = arith.muli %sub3A_93, %sub3A_96 : vector<16xi32>
      %sub3A_98 = arith.constant 1 : i32
      %sub3A_99 = vector.broadcast %sub3A_98 : i32 to vector<16xi32>
      %sub3A_100 = arith.subi %sub3A_99, %min3A_90 : vector<16xi32>
      %max3A_101 = arith.maxsi %max3A_62, %sub3A_100 : vector<16xi32>
      %mul3A_102 = arith.constant 9999 : i32
      %mul3A_103 = vector.broadcast %mul3A_102 : i32 to vector<16xi32>
      %mul3A_104 = arith.muli %mul3A_97, %mul3A_103 : vector<16xi32>
      %add3A_105 = arith.addi %get3A_87, %mul3A_104 : vector<16xi32>
      %add3A_106 = arith.constant 7680000 : i32
      %add3A_107 = vector.broadcast %add3A_106 : i32 to vector<16xi32>
      %add3A_108 = arith.addi %add3A_107, %mul3A_6 : vector<16xi32>
      %add3A_109 = arith.addi %add3A_108, %add3A_105 : vector<16xi32>
      %min3A_110 = arith.constant 1 : i32
      %min3A_111 = vector.broadcast %min3A_110 : i32 to vector<16xi32>
      %min3A_112 = arith.minsi %add3A_105, %min3A_111 : vector<16xi32>
      %convert_element_type3A_113 = arith.sitofp %min3A_112 : vector<16xi32> to vector<16xf32>
      %swap3A_114 = arith.constant 32 : index
      %swap3A_115 = tpu.vector_load %arg7[%swap3A_114] {strides = array<i32>} : memref<320xi32, #tpu.memory_space<vmem>>, vector<16xi32>,
      %swap3A_116 = vector.shape_cast %swap3A_115 : vector<16xi32> to vector<16xi32>
      %swap3A_117 = vector.shape_cast %add3A_109 : vector<16xi32> to vector<16xi32>
      tpu.vector_store %arg7[%swap3A_114], %swap3A_117 {strides = array<i32>} : memref<320xi32, #tpu.memory_space<vmem>>, vector<16xi32>,
      %swap3A_118 = arith.constant 32 : index
      %swap3A_119 = tpu.vector_load %arg8[%swap3A_118] {strides = array<i32>} : memref<320xf32, #tpu.memory_space<vmem>>, vector<16xf32>,
      %swap3A_120 = vector.shape_cast %swap3A_119 : vector<16xf32> to vector<16xf32>
      %swap3A_121 = vector.shape_cast %convert_element_type3A_113 : vector<16xf32> to vector<16xf32>
      tpu.vector_store %arg8[%swap3A_118], %swap3A_121 {strides = array<i32>} : memref<320xf32, #tpu.memory_space<vmem>>, vector<16xf32>,
      %get3A_122 = arith.constant 3 : i32
      %get3A_123 = arith.index_cast %get3A_122 : i32 to index
      %get3A_124 = arith.constant 0 : index
      %get3A_125 = tpu.vector_load %arg6[%get3A_123, %get3A_124] {strides = array<i32>} : memref<20x16xi32, #tpu.memory_space<vmem>>, vector<1x16xi32>,
      %get3A_126 = vector.shape_cast %get3A_125 : vector<1x16xi32> to vector<16xi32>
      %min3A_127 = arith.constant 1 : i32
      %min3A_128 = vector.broadcast %min3A_127 : i32 to vector<16xi32>
      %min3A_129 = arith.minsi %get3A_126, %min3A_128 : vector<16xi32>
      %sub3A_130 = arith.constant 1 : i32
      %sub3A_131 = vector.broadcast %sub3A_130 : i32 to vector<16xi32>
      %sub3A_132 = arith.subi %sub3A_131, %min3A_129 : vector<16xi32>
      %sub3A_133 = arith.constant 1 : i32
      %sub3A_134 = vector.broadcast %sub3A_133 : i32 to vector<16xi32>
      %sub3A_135 = arith.subi %sub3A_134, %max3A_101 : vector<16xi32>
      %mul3A_136 = arith.muli %sub3A_132, %sub3A_135 : vector<16xi32>
      %sub3A_137 = arith.constant 1 : i32
      %sub3A_138 = vector.broadcast %sub3A_137 : i32 to vector<16xi32>
      %sub3A_139 = arith.subi %sub3A_138, %min3A_129 : vector<16xi32>
      %max3A_140 = arith.maxsi %max3A_101, %sub3A_139 : vector<16xi32>
      %mul3A_141 = arith.constant 9999 : i32
      %mul3A_142 = vector.broadcast %mul3A_141 : i32 to vector<16xi32>
      %mul3A_143 = arith.muli %mul3A_136, %mul3A_142 : vector<16xi32>
      %add3A_144 = arith.addi %get3A_126, %mul3A_143 : vector<16xi32>
      %add3A_145 = arith.constant 10240000 : i32
      %add3A_146 = vector.broadcast %add3A_145 : i32 to vector<16xi32>
      %add3A_147 = arith.addi %add3A_146, %mul3A_6 : vector<16xi32>
      %add3A_148 = arith.addi %add3A_147, %add3A_144 : vector<16xi32>
      %min3A_149 = arith.constant 1 : i32
      %min3A_150 = vector.broadcast %min3A_149 : i32 to vector<16xi32>
      %min3A_151 = arith.minsi %add3A_144, %min3A_150 : vector<16xi32>
      %convert_element_type3A_152 = arith.sitofp %min3A_151 : vector<16xi32> to vector<16xf32>
      %swap3A_153 = arith.constant 48 : index
      %swap3A_154 = tpu.vector_load %arg7[%swap3A_153] {strides = array<i32>} : memref<320xi32, #tpu.memory_space<vmem>>, vector<16xi32>,
      %swap3A_155 = vector.shape_cast %swap3A_154 : vector<16xi32> to vector<16xi32>
      %swap3A_156 = vector.shape_cast %add3A_148 : vector<16xi32> to vector<16xi32>
      tpu.vector_store %arg7[%swap3A_153], %swap3A_156 {strides = array<i32>} : memref<320xi32, #tpu.memory_space<vmem>>, vector<16xi32>,
      %swap3A_157 = arith.constant 48 : index
      %swap3A_158 = tpu.vector_load %arg8[%swap3A_157] {strides = array<i32>} : memref<320xf32, #tpu.memory_space<vmem>>, vector<16xf32>,
      %swap3A_159 = vector.shape_cast %swap3A_158 : vector<16xf32> to vector<16xf32>
      %swap3A_160 = vector.shape_cast %convert_element_type3A_152 : vector<16xf32> to vector<16xf32>
      tpu.vector_store %arg8[%swap3A_157], %swap3A_160 {strides = array<i32>} : memref<320xf32, #tpu.memory_space<vmem>>, vector<16xf32>,
      %get3A_161 = arith.constant 4 : i32
      %get3A_162 = arith.index_cast %get3A_161 : i32 to index
      %get3A_163 = arith.constant 0 : index
      %get3A_164 = tpu.vector_load %arg6[%get3A_162, %get3A_163] {strides = array<i32>} : memref<20x16xi32, #tpu.memory_space<vmem>>, vector<1x16xi32>,
      %get3A_165 = vector.shape_cast %get3A_164 : vector<1x16xi32> to vector<16xi32>
      %min3A_166 = arith.constant 1 : i32
      %min3A_167 = vector.broadcast %min3A_166 : i32 to vector<16xi32>
      %min3A_168 = arith.minsi %get3A_165, %min3A_167 : vector<16xi32>
      %sub3A_169 = arith.constant 1 : i32
      %sub3A_170 = vector.broadcast %sub3A_169 : i32 to vector<16xi32>
      %sub3A_171 = arith.subi %sub3A_170, %min3A_168 : vector<16xi32>
      %sub3A_172 = arith.constant 1 : i32
      %sub3A_173 = vector.broadcast %sub3A_172 : i32 to vector<16xi32>
      %sub3A_174 = arith.subi %sub3A_173, %max3A_140 : vector<16xi32>
      %mul3A_175 = arith.muli %sub3A_171, %sub3A_174 : vector<16xi32>
      %sub3A_176 = arith.constant 1 : i32
      %sub3A_177 = vector.broadcast %sub3A_176 : i32 to vector<16xi32>
      %sub3A_178 = arith.subi %sub3A_177, %min3A_168 : vector<16xi32>
      %max3A_179 = arith.maxsi %max3A_140, %sub3A_178 : vector<16xi32>
      %mul3A_180 = arith.constant 9999 : i32
      %mul3A_181 = vector.broadcast %mul3A_180 : i32 to vector<16xi32>
      %mul3A_182 = arith.muli %mul3A_175, %mul3A_181 : vector<16xi32>
      %add3A_183 = arith.addi %get3A_165, %mul3A_182 : vector<16xi32>
      %add3A_184 = arith.constant 12800000 : i32
      %add3A_185 = vector.broadcast %add3A_184 : i32 to vector<16xi32>
      %add3A_186 = arith.addi %add3A_185, %mul3A_6 : vector<16xi32>
      %add3A_187 = arith.addi %add3A_186, %add3A_183 : vector<16xi32>
      %min3A_188 = arith.constant 1 : i32
      %min3A_189 = vector.broadcast %min3A_188 : i32 to vector<16xi32>
      %min3A_190 = arith.minsi %add3A_183, %min3A_189 : vector<16xi32>
      %convert_element_type3A_191 = arith.sitofp %min3A_190 : vector<16xi32> to vector<16xf32>
      %swap3A_192 = arith.constant 64 : index
      %swap3A_193 = tpu.vector_load %arg7[%swap3A_192] {strides = array<i32>} : memref<320xi32, #tpu.memory_space<vmem>>, vector<16xi32>,
      %swap3A_194 = vector.shape_cast %swap3A_193 : vector<16xi32> to vector<16xi32>
      %swap3A_195 = vector.shape_cast %add3A_187 : vector<16xi32> to vector<16xi32>
      tpu.vector_store %arg7[%swap3A_192], %swap3A_195 {strides = array<i32>} : memref<320xi32, #tpu.memory_space<vmem>>, vector<16xi32>,
      %swap3A_196 = arith.constant 64 : index
      %swap3A_197 = tpu.vector_load %arg8[%swap3A_196] {strides = array<i32>} : memref<320xf32, #tpu.memory_space<vmem>>, vector<16xf32>,
      %swap3A_198 = vector.shape_cast %swap3A_197 : vector<16xf32> to vector<16xf32>
      %swap3A_199 = vector.shape_cast %convert_element_type3A_191 : vector<16xf32> to vector<16xf32>
      tpu.vector_store %arg8[%swap3A_196], %swap3A_199 {strides = array<i32>} : memref<320xf32, #tpu.memory_space<vmem>>, vector<16xf32>,
      %get3A_200 = arith.constant 5 : i32
      %get3A_201 = arith.index_cast %get3A_200 : i32 to index
      %get3A_202 = arith.constant 0 : index
      %get3A_203 = tpu.vector_load %arg6[%get3A_201, %get3A_202] {strides = array<i32>} : memref<20x16xi32, #tpu.memory_space<vmem>>, vector<1x16xi32>,
      %get3A_204 = vector.shape_cast %get3A_203 : vector<1x16xi32> to vector<16xi32>
      %min3A_205 = arith.constant 1 : i32
      %min3A_206 = vector.broadcast %min3A_205 : i32 to vector<16xi32>
      %min3A_207 = arith.minsi %get3A_204, %min3A_206 : vector<16xi32>
      %sub3A_208 = arith.constant 1 : i32
      %sub3A_209 = vector.broadcast %sub3A_208 : i32 to vector<16xi32>
      %sub3A_210 = arith.subi %sub3A_209, %min3A_207 : vector<16xi32>
      %sub3A_211 = arith.constant 1 : i32
      %sub3A_212 = vector.broadcast %sub3A_211 : i32 to vector<16xi32>
      %sub3A_213 = arith.subi %sub3A_212, %max3A_179 : vector<16xi32>
      %mul3A_214 = arith.muli %sub3A_210, %sub3A_213 : vector<16xi32>
      %sub3A_215 = arith.constant 1 : i32
      %sub3A_216 = vector.broadcast %sub3A_215 : i32 to vector<16xi32>
      %sub3A_217 = arith.subi %sub3A_216, %min3A_207 : vector<16xi32>
      %max3A_218 = arith.maxsi %max3A_179, %sub3A_217 : vector<16xi32>
      %mul3A_219 = arith.constant 9999 : i32
      %mul3A_220 = vector.broadcast %mul3A_219 : i32 to vector<16xi32>
      %mul3A_221 = arith.muli %mul3A_214, %mul3A_220 : vector<16xi32>
      %add3A_222 = arith.addi %get3A_204, %mul3A_221 : vector<16xi32>
      %add3A_223 = arith.constant 15360000 : i32
      %add3A_224 = vector.broadcast %add3A_223 : i32 to vector<16xi32>
      %add3A_225 = arith.addi %add3A_224, %mul3A_6 : vector<16xi32>
      %add3A_226 = arith.addi %add3A_225, %add3A_222 : vector<16xi32>
      %min3A_227 = arith.constant 1 : i32
      %min3A_228 = vector.broadcast %min3A_227 : i32 to vector<16xi32>
      %min3A_229 = arith.minsi %add3A_222, %min3A_228 : vector<16xi32>
      %convert_element_type3A_230 = arith.sitofp %min3A_229 : vector<16xi32> to vector<16xf32>
      %swap3A_231 = arith.constant 80 : index
      %swap3A_232 = tpu.vector_load %arg7[%swap3A_231] {strides = array<i32>} : memref<320xi32, #tpu.memory_space<vmem>>, vector<16xi32>,
      %swap3A_233 = vector.shape_cast %swap3A_232 : vector<16xi32> to vector<16xi32>
      %swap3A_234 = vector.shape_cast %add3A_226 : vector<16xi32> to vector<16xi32>
      tpu.vector_store %arg7[%swap3A_231], %swap3A_234 {strides = array<i32>} : memref<320xi32, #tpu.memory_space<vmem>>, vector<16xi32>,
      %swap3A_235 = arith.constant 80 : index
      %swap3A_236 = tpu.vector_load %arg8[%swap3A_235] {strides = array<i32>} : memref<320xf32, #tpu.memory_space<vmem>>, vector<16xf32>,
      %swap3A_237 = vector.shape_cast %swap3A_236 : vector<16xf32> to vector<16xf32>
      %swap3A_238 = vector.shape_cast %convert_element_type3A_230 : vector<16xf32> to vector<16xf32>
      tpu.vector_store %arg8[%swap3A_235], %swap3A_238 {strides = array<i32>} : memref<320xf32, #tpu.memory_space<vmem>>, vector<16xf32>,
      %get3A_239 = arith.constant 6 : i32
      %get3A_240 = arith.index_cast %get3A_239 : i32 to index
      %get3A_241 = arith.constant 0 : index
      %get3A_242 = tpu.vector_load %arg6[%get3A_240, %get3A_241] {strides = array<i32>} : memref<20x16xi32, #tpu.memory_space<vmem>>, vector<1x16xi32>,
      %get3A_243 = vector.shape_cast %get3A_242 : vector<1x16xi32> to vector<16xi32>
      %min3A_244 = arith.constant 1 : i32
      %min3A_245 = vector.broadcast %min3A_244 : i32 to vector<16xi32>
      %min3A_246 = arith.minsi %get3A_243, %min3A_245 : vector<16xi32>
      %sub3A_247 = arith.constant 1 : i32
      %sub3A_248 = vector.broadcast %sub3A_247 : i32 to vector<16xi32>
      %sub3A_249 = arith.subi %sub3A_248, %min3A_246 : vector<16xi32>
      %sub3A_250 = arith.constant 1 : i32
      %sub3A_251 = vector.broadcast %sub3A_250 : i32 to vector<16xi32>
      %sub3A_252 = arith.subi %sub3A_251, %max3A_218 : vector<16xi32>
      %mul3A_253 = arith.muli %sub3A_249, %sub3A_252 : vector<16xi32>
      %sub3A_254 = arith.constant 1 : i32
      %sub3A_255 = vector.broadcast %sub3A_254 : i32 to vector<16xi32>
      %sub3A_256 = arith.subi %sub3A_255, %min3A_246 : vector<16xi32>
      %max3A_257 = arith.maxsi %max3A_218, %sub3A_256 : vector<16xi32>
      %mul3A_258 = arith.constant 9999 : i32
      %mul3A_259 = vector.broadcast %mul3A_258 : i32 to vector<16xi32>
      %mul3A_260 = arith.muli %mul3A_253, %mul3A_259 : vector<16xi32>
      %add3A_261 = arith.addi %get3A_243, %mul3A_260 : vector<16xi32>
      %add3A_262 = arith.constant 17920000 : i32
      %add3A_263 = vector.broadcast %add3A_262 : i32 to vector<16xi32>
      %add3A_264 = arith.addi %add3A_263, %mul3A_6 : vector<16xi32>
      %add3A_265 = arith.addi %add3A_264, %add3A_261 : vector<16xi32>
      %min3A_266 = arith.constant 1 : i32
      %min3A_267 = vector.broadcast %min3A_266 : i32 to vector<16xi32>
      %min3A_268 = arith.minsi %add3A_261, %min3A_267 : vector<16xi32>
      %convert_element_type3A_269 = arith.sitofp %min3A_268 : vector<16xi32> to vector<16xf32>
      %swap3A_270 = arith.constant 96 : index
      %swap3A_271 = tpu.vector_load %arg7[%swap3A_270] {strides = array<i32>} : memref<320xi32, #tpu.memory_space<vmem>>, vector<16xi32>,
      %swap3A_272 = vector.shape_cast %swap3A_271 : vector<16xi32> to vector<16xi32>
      %swap3A_273 = vector.shape_cast %add3A_265 : vector<16xi32> to vector<16xi32>
      tpu.vector_store %arg7[%swap3A_270], %swap3A_273 {strides = array<i32>} : memref<320xi32, #tpu.memory_space<vmem>>, vector<16xi32>,
      %swap3A_274 = arith.constant 96 : index
      %swap3A_275 = tpu.vector_load %arg8[%swap3A_274] {strides = array<i32>} : memref<320xf32, #tpu.memory_space<vmem>>, vector<16xf32>,
      %swap3A_276 = vector.shape_cast %swap3A_275 : vector<16xf32> to vector<16xf32>
      %swap3A_277 = vector.shape_cast %convert_element_type3A_269 : vector<16xf32> to vector<16xf32>
      tpu.vector_store %arg8[%swap3A_274], %swap3A_277 {strides = array<i32>} : memref<320xf32, #tpu.memory_space<vmem>>, vector<16xf32>,
      %get3A_278 = arith.constant 7 : i32
      %get3A_279 = arith.index_cast %get3A_278 : i32 to index
      %get3A_280 = arith.constant 0 : index
      %get3A_281 = tpu.vector_load %arg6[%get3A_279, %get3A_280] {strides = array<i32>} : memref<20x16xi32, #tpu.memory_space<vmem>>, vector<1x16xi32>,
      %get3A_282 = vector.shape_cast %get3A_281 : vector<1x16xi32> to vector<16xi32>
      %min3A_283 = arith.constant 1 : i32
      %min3A_284 = vector.broadcast %min3A_283 : i32 to vector<16xi32>
      %min3A_285 = arith.minsi %get3A_282, %min3A_284 : vector<16xi32>
      %sub3A_286 = arith.constant 1 : i32
      %sub3A_287 = vector.broadcast %sub3A_286 : i32 to vector<16xi32>
      %sub3A_288 = arith.subi %sub3A_287, %min3A_285 : vector<16xi32>
      %sub3A_289 = arith.constant 1 : i32
      %sub3A_290 = vector.broadcast %sub3A_289 : i32 to vector<16xi32>
      %sub3A_291 = arith.subi %sub3A_290, %max3A_257 : vector<16xi32>
      %mul3A_292 = arith.muli %sub3A_288, %sub3A_291 : vector<16xi32>
      %sub3A_293 = arith.constant 1 : i32
      %sub3A_294 = vector.broadcast %sub3A_293 : i32 to vector<16xi32>
      %sub3A_295 = arith.subi %sub3A_294, %min3A_285 : vector<16xi32>
      %max3A_296 = arith.maxsi %max3A_257, %sub3A_295 : vector<16xi32>
      %mul3A_297 = arith.constant 9999 : i32
      %mul3A_298 = vector.broadcast %mul3A_297 : i32 to vector<16xi32>
      %mul3A_299 = arith.muli %mul3A_292, %mul3A_298 : vector<16xi32>
      %add3A_300 = arith.addi %get3A_282, %mul3A_299 : vector<16xi32>
      %add3A_301 = arith.constant 20480000 : i32
      %add3A_302 = vector.broadcast %add3A_301 : i32 to vector<16xi32>
      %add3A_303 = arith.addi %add3A_302, %mul3A_6 : vector<16xi32>
      %add3A_304 = arith.addi %add3A_303, %add3A_300 : vector<16xi32>
      %min3A_305 = arith.constant 1 : i32
      %min3A_306 = vector.broadcast %min3A_305 : i32 to vector<16xi32>
      %min3A_307 = arith.minsi %add3A_300, %min3A_306 : vector<16xi32>
      %convert_element_type3A_308 = arith.sitofp %min3A_307 : vector<16xi32> to vector<16xf32>
      %swap3A_309 = arith.constant 112 : index
      %swap3A_310 = tpu.vector_load %arg7[%swap3A_309] {strides = array<i32>} : memref<320xi32, #tpu.memory_space<vmem>>, vector<16xi32>,
      %swap3A_311 = vector.shape_cast %swap3A_310 : vector<16xi32> to vector<16xi32>
      %swap3A_312 = vector.shape_cast %add3A_304 : vector<16xi32> to vector<16xi32>
      tpu.vector_store %arg7[%swap3A_309], %swap3A_312 {strides = array<i32>} : memref<320xi32, #tpu.memory_space<vmem>>, vector<16xi32>,
      %swap3A_313 = arith.constant 112 : index
      %swap3A_314 = tpu.vector_load %arg8[%swap3A_313] {strides = array<i32>} : memref<320xf32, #tpu.memory_space<vmem>>, vector<16xf32>,
      %swap3A_315 = vector.shape_cast %swap3A_314 : vector<16xf32> to vector<16xf32>
      %swap3A_316 = vector.shape_cast %convert_element_type3A_308 : vector<16xf32> to vector<16xf32>
      tpu.vector_store %arg8[%swap3A_313], %swap3A_316 {strides = array<i32>} : memref<320xf32, #tpu.memory_space<vmem>>, vector<16xf32>,
      %get3A_317 = arith.constant 8 : i32
      %get3A_318 = arith.index_cast %get3A_317 : i32 to index
      %get3A_319 = arith.constant 0 : index
      %get3A_320 = tpu.vector_load %arg6[%get3A_318, %get3A_319] {strides = array<i32>} : memref<20x16xi32, #tpu.memory_space<vmem>>, vector<1x16xi32>,
      %get3A_321 = vector.shape_cast %get3A_320 : vector<1x16xi32> to vector<16xi32>
      %min3A_322 = arith.constant 1 : i32
      %min3A_323 = vector.broadcast %min3A_322 : i32 to vector<16xi32>
      %min3A_324 = arith.minsi %get3A_321, %min3A_323 : vector<16xi32>
      %sub3A_325 = arith.constant 1 : i32
      %sub3A_326 = vector.broadcast %sub3A_325 : i32 to vector<16xi32>
      %sub3A_327 = arith.subi %sub3A_326, %min3A_324 : vector<16xi32>
      %sub3A_328 = arith.constant 1 : i32
      %sub3A_329 = vector.broadcast %sub3A_328 : i32 to vector<16xi32>
      %sub3A_330 = arith.subi %sub3A_329, %max3A_296 : vector<16xi32>
      %mul3A_331 = arith.muli %sub3A_327, %sub3A_330 : vector<16xi32>
      %sub3A_332 = arith.constant 1 : i32
      %sub3A_333 = vector.broadcast %sub3A_332 : i32 to vector<16xi32>
      %sub3A_334 = arith.subi %sub3A_333, %min3A_324 : vector<16xi32>
      %max3A_335 = arith.maxsi %max3A_296, %sub3A_334 : vector<16xi32>
      %mul3A_336 = arith.constant 9999 : i32
      %mul3A_337 = vector.broadcast %mul3A_336 : i32 to vector<16xi32>
      %mul3A_338 = arith.muli %mul3A_331, %mul3A_337 : vector<16xi32>
      %add3A_339 = arith.addi %get3A_321, %mul3A_338 : vector<16xi32>
      %add3A_340 = arith.constant 23040000 : i32
      %add3A_341 = vector.broadcast %add3A_340 : i32 to vector<16xi32>
      %add3A_342 = arith.addi %add3A_341, %mul3A_6 : vector<16xi32>
      %add3A_343 = arith.addi %add3A_342, %add3A_339 : vector<16xi32>
      %min3A_344 = arith.constant 1 : i32
      %min3A_345 = vector.broadcast %min3A_344 : i32 to vector<16xi32>
      %min3A_346 = arith.minsi %add3A_339, %min3A_345 : vector<16xi32>
      %convert_element_type3A_347 = arith.sitofp %min3A_346 : vector<16xi32> to vector<16xf32>
      %swap3A_348 = arith.constant 128 : index
      %swap3A_349 = tpu.vector_load %arg7[%swap3A_348] {strides = array<i32>} : memref<320xi32, #tpu.memory_space<vmem>>, vector<16xi32>,
      %swap3A_350 = vector.shape_cast %swap3A_349 : vector<16xi32> to vector<16xi32>
      %swap3A_351 = vector.shape_cast %add3A_343 : vector<16xi32> to vector<16xi32>
      tpu.vector_store %arg7[%swap3A_348], %swap3A_351 {strides = array<i32>} : memref<320xi32, #tpu.memory_space<vmem>>, vector<16xi32>,
      %swap3A_352 = arith.constant 128 : index
      %swap3A_353 = tpu.vector_load %arg8[%swap3A_352] {strides = array<i32>} : memref<320xf32, #tpu.memory_space<vmem>>, vector<16xf32>,
      %swap3A_354 = vector.shape_cast %swap3A_353 : vector<16xf32> to vector<16xf32>
      %swap3A_355 = vector.shape_cast %convert_element_type3A_347 : vector<16xf32> to vector<16xf32>
      tpu.vector_store %arg8[%swap3A_352], %swap3A_355 {strides = array<i32>} : memref<320xf32, #tpu.memory_space<vmem>>, vector<16xf32>,
      %get3A_356 = arith.constant 9 : i32
      %get3A_357 = arith.index_cast %get3A_356 : i32 to index
      %get3A_358 = arith.constant 0 : index
      %get3A_359 = tpu.vector_load %arg6[%get3A_357, %get3A_358] {strides = array<i32>} : memref<20x16xi32, #tpu.memory_space<vmem>>, vector<1x16xi32>,
      %get3A_360 = vector.shape_cast %get3A_359 : vector<1x16xi32> to vector<16xi32>
      %min3A_361 = arith.constant 1 : i32
      %min3A_362 = vector.broadcast %min3A_361 : i32 to vector<16xi32>
      %min3A_363 = arith.minsi %get3A_360, %min3A_362 : vector<16xi32>
      %sub3A_364 = arith.constant 1 : i32
      %sub3A_365 = vector.broadcast %sub3A_364 : i32 to vector<16xi32>
      %sub3A_366 = arith.subi %sub3A_365, %min3A_363 : vector<16xi32>
      %sub3A_367 = arith.constant 1 : i32
      %sub3A_368 = vector.broadcast %sub3A_367 : i32 to vector<16xi32>
      %sub3A_369 = arith.subi %sub3A_368, %max3A_335 : vector<16xi32>
      %mul3A_370 = arith.muli %sub3A_366, %sub3A_369 : vector<16xi32>
      %sub3A_371 = arith.constant 1 : i32
      %sub3A_372 = vector.broadcast %sub3A_371 : i32 to vector<16xi32>
      %sub3A_373 = arith.subi %sub3A_372, %min3A_363 : vector<16xi32>
      %max3A_374 = arith.maxsi %max3A_335, %sub3A_373 : vector<16xi32>
      %mul3A_375 = arith.constant 9999 : i32
      %mul3A_376 = vector.broadcast %mul3A_375 : i32 to vector<16xi32>
      %mul3A_377 = arith.muli %mul3A_370, %mul3A_376 : vector<16xi32>
      %add3A_378 = arith.addi %get3A_360, %mul3A_377 : vector<16xi32>
      %add3A_379 = arith.constant 25600000 : i32
      %add3A_380 = vector.broadcast %add3A_379 : i32 to vector<16xi32>
      %add3A_381 = arith.addi %add3A_380, %mul3A_6 : vector<16xi32>
      %add3A_382 = arith.addi %add3A_381, %add3A_378 : vector<16xi32>
      %min3A_383 = arith.constant 1 : i32
      %min3A_384 = vector.broadcast %min3A_383 : i32 to vector<16xi32>
      %min3A_385 = arith.minsi %add3A_378, %min3A_384 : vector<16xi32>
      %convert_element_type3A_386 = arith.sitofp %min3A_385 : vector<16xi32> to vector<16xf32>
      %swap3A_387 = arith.constant 144 : index
      %swap3A_388 = tpu.vector_load %arg7[%swap3A_387] {strides = array<i32>} : memref<320xi32, #tpu.memory_space<vmem>>, vector<16xi32>,
      %swap3A_389 = vector.shape_cast %swap3A_388 : vector<16xi32> to vector<16xi32>
      %swap3A_390 = vector.shape_cast %add3A_382 : vector<16xi32> to vector<16xi32>
      tpu.vector_store %arg7[%swap3A_387], %swap3A_390 {strides = array<i32>} : memref<320xi32, #tpu.memory_space<vmem>>, vector<16xi32>,
      %swap3A_391 = arith.constant 144 : index
      %swap3A_392 = tpu.vector_load %arg8[%swap3A_391] {strides = array<i32>} : memref<320xf32, #tpu.memory_space<vmem>>, vector<16xf32>,
      %swap3A_393 = vector.shape_cast %swap3A_392 : vector<16xf32> to vector<16xf32>
      %swap3A_394 = vector.shape_cast %convert_element_type3A_386 : vector<16xf32> to vector<16xf32>
      tpu.vector_store %arg8[%swap3A_391], %swap3A_394 {strides = array<i32>} : memref<320xf32, #tpu.memory_space<vmem>>, vector<16xf32>,
      %get3A_395 = arith.constant 10 : i32
      %get3A_396 = arith.index_cast %get3A_395 : i32 to index
      %get3A_397 = arith.constant 0 : index
      %get3A_398 = tpu.vector_load %arg6[%get3A_396, %get3A_397] {strides = array<i32>} : memref<20x16xi32, #tpu.memory_space<vmem>>, vector<1x16xi32>,
      %get3A_399 = vector.shape_cast %get3A_398 : vector<1x16xi32> to vector<16xi32>
      %min3A_400 = arith.constant 1 : i32
      %min3A_401 = vector.broadcast %min3A_400 : i32 to vector<16xi32>
      %min3A_402 = arith.minsi %get3A_399, %min3A_401 : vector<16xi32>
      %sub3A_403 = arith.constant 1 : i32
      %sub3A_404 = vector.broadcast %sub3A_403 : i32 to vector<16xi32>
      %sub3A_405 = arith.subi %sub3A_404, %min3A_402 : vector<16xi32>
      %sub3A_406 = arith.constant 1 : i32
      %sub3A_407 = vector.broadcast %sub3A_406 : i32 to vector<16xi32>
      %sub3A_408 = arith.subi %sub3A_407, %max3A_374 : vector<16xi32>
      %mul3A_409 = arith.muli %sub3A_405, %sub3A_408 : vector<16xi32>
      %sub3A_410 = arith.constant 1 : i32
      %sub3A_411 = vector.broadcast %sub3A_410 : i32 to vector<16xi32>
      %sub3A_412 = arith.subi %sub3A_411, %min3A_402 : vector<16xi32>
      %max3A_413 = arith.maxsi %max3A_374, %sub3A_412 : vector<16xi32>
      %mul3A_414 = arith.constant 9999 : i32
      %mul3A_415 = vector.broadcast %mul3A_414 : i32 to vector<16xi32>
      %mul3A_416 = arith.muli %mul3A_409, %mul3A_415 : vector<16xi32>
      %add3A_417 = arith.addi %get3A_399, %mul3A_416 : vector<16xi32>
      %add3A_418 = arith.constant 28160000 : i32
      %add3A_419 = vector.broadcast %add3A_418 : i32 to vector<16xi32>
      %add3A_420 = arith.addi %add3A_419, %mul3A_6 : vector<16xi32>
      %add3A_421 = arith.addi %add3A_420, %add3A_417 : vector<16xi32>
      %min3A_422 = arith.constant 1 : i32
      %min3A_423 = vector.broadcast %min3A_422 : i32 to vector<16xi32>
      %min3A_424 = arith.minsi %add3A_417, %min3A_423 : vector<16xi32>
      %convert_element_type3A_425 = arith.sitofp %min3A_424 : vector<16xi32> to vector<16xf32>
      %swap3A_426 = arith.constant 160 : index
      %swap3A_427 = tpu.vector_load %arg7[%swap3A_426] {strides = array<i32>} : memref<320xi32, #tpu.memory_space<vmem>>, vector<16xi32>,
      %swap3A_428 = vector.shape_cast %swap3A_427 : vector<16xi32> to vector<16xi32>
      %swap3A_429 = vector.shape_cast %add3A_421 : vector<16xi32> to vector<16xi32>
      tpu.vector_store %arg7[%swap3A_426], %swap3A_429 {strides = array<i32>} : memref<320xi32, #tpu.memory_space<vmem>>, vector<16xi32>,
      %swap3A_430 = arith.constant 160 : index
      %swap3A_431 = tpu.vector_load %arg8[%swap3A_430] {strides = array<i32>} : memref<320xf32, #tpu.memory_space<vmem>>, vector<16xf32>,
      %swap3A_432 = vector.shape_cast %swap3A_431 : vector<16xf32> to vector<16xf32>
      %swap3A_433 = vector.shape_cast %convert_element_type3A_425 : vector<16xf32> to vector<16xf32>
      tpu.vector_store %arg8[%swap3A_430], %swap3A_433 {strides = array<i32>} : memref<320xf32, #tpu.memory_space<vmem>>, vector<16xf32>,
      %get3A_434 = arith.constant 11 : i32
      %get3A_435 = arith.index_cast %get3A_434 : i32 to index
      %get3A_436 = arith.constant 0 : index
      %get3A_437 = tpu.vector_load %arg6[%get3A_435, %get3A_436] {strides = array<i32>} : memref<20x16xi32, #tpu.memory_space<vmem>>, vector<1x16xi32>,
      %get3A_438 = vector.shape_cast %get3A_437 : vector<1x16xi32> to vector<16xi32>
      %min3A_439 = arith.constant 1 : i32
      %min3A_440 = vector.broadcast %min3A_439 : i32 to vector<16xi32>
      %min3A_441 = arith.minsi %get3A_438, %min3A_440 : vector<16xi32>
      %sub3A_442 = arith.constant 1 : i32
      %sub3A_443 = vector.broadcast %sub3A_442 : i32 to vector<16xi32>
      %sub3A_444 = arith.subi %sub3A_443, %min3A_441 : vector<16xi32>
      %sub3A_445 = arith.constant 1 : i32
      %sub3A_446 = vector.broadcast %sub3A_445 : i32 to vector<16xi32>
      %sub3A_447 = arith.subi %sub3A_446, %max3A_413 : vector<16xi32>
      %mul3A_448 = arith.muli %sub3A_444, %sub3A_447 : vector<16xi32>
      %sub3A_449 = arith.constant 1 : i32
      %sub3A_450 = vector.broadcast %sub3A_449 : i32 to vector<16xi32>
      %sub3A_451 = arith.subi %sub3A_450, %min3A_441 : vector<16xi32>
      %max3A_452 = arith.maxsi %max3A_413, %sub3A_451 : vector<16xi32>
      %mul3A_453 = arith.constant 9999 : i32
      %mul3A_454 = vector.broadcast %mul3A_453 : i32 to vector<16xi32>
      %mul3A_455 = arith.muli %mul3A_448, %mul3A_454 : vector<16xi32>
      %add3A_456 = arith.addi %get3A_438, %mul3A_455 : vector<16xi32>
      %add3A_457 = arith.constant 30720000 : i32
      %add3A_458 = vector.broadcast %add3A_457 : i32 to vector<16xi32>
      %add3A_459 = arith.addi %add3A_458, %mul3A_6 : vector<16xi32>
      %add3A_460 = arith.addi %add3A_459, %add3A_456 : vector<16xi32>
      %min3A_461 = arith.constant 1 : i32
      %min3A_462 = vector.broadcast %min3A_461 : i32 to vector<16xi32>
      %min3A_463 = arith.minsi %add3A_456, %min3A_462 : vector<16xi32>
      %convert_element_type3A_464 = arith.sitofp %min3A_463 : vector<16xi32> to vector<16xf32>
      %swap3A_465 = arith.constant 176 : index
      %swap3A_466 = tpu.vector_load %arg7[%swap3A_465] {strides = array<i32>} : memref<320xi32, #tpu.memory_space<vmem>>, vector<16xi32>,
      %swap3A_467 = vector.shape_cast %swap3A_466 : vector<16xi32> to vector<16xi32>
      %swap3A_468 = vector.shape_cast %add3A_460 : vector<16xi32> to vector<16xi32>
      tpu.vector_store %arg7[%swap3A_465], %swap3A_468 {strides = array<i32>} : memref<320xi32, #tpu.memory_space<vmem>>, vector<16xi32>,
      %swap3A_469 = arith.constant 176 : index
      %swap3A_470 = tpu.vector_load %arg8[%swap3A_469] {strides = array<i32>} : memref<320xf32, #tpu.memory_space<vmem>>, vector<16xf32>,
      %swap3A_471 = vector.shape_cast %swap3A_470 : vector<16xf32> to vector<16xf32>
      %swap3A_472 = vector.shape_cast %convert_element_type3A_464 : vector<16xf32> to vector<16xf32>
      tpu.vector_store %arg8[%swap3A_469], %swap3A_472 {strides = array<i32>} : memref<320xf32, #tpu.memory_space<vmem>>, vector<16xf32>,
      %get3A_473 = arith.constant 12 : i32
      %get3A_474 = arith.index_cast %get3A_473 : i32 to index
      %get3A_475 = arith.constant 0 : index
      %get3A_476 = tpu.vector_load %arg6[%get3A_474, %get3A_475] {strides = array<i32>} : memref<20x16xi32, #tpu.memory_space<vmem>>, vector<1x16xi32>,
      %get3A_477 = vector.shape_cast %get3A_476 : vector<1x16xi32> to vector<16xi32>
      %min3A_478 = arith.constant 1 : i32
      %min3A_479 = vector.broadcast %min3A_478 : i32 to vector<16xi32>
      %min3A_480 = arith.minsi %get3A_477, %min3A_479 : vector<16xi32>
      %sub3A_481 = arith.constant 1 : i32
      %sub3A_482 = vector.broadcast %sub3A_481 : i32 to vector<16xi32>
      %sub3A_483 = arith.subi %sub3A_482, %min3A_480 : vector<16xi32>
      %sub3A_484 = arith.constant 1 : i32
      %sub3A_485 = vector.broadcast %sub3A_484 : i32 to vector<16xi32>
      %sub3A_486 = arith.subi %sub3A_485, %max3A_452 : vector<16xi32>
      %mul3A_487 = arith.muli %sub3A_483, %sub3A_486 : vector<16xi32>
      %sub3A_488 = arith.constant 1 : i32
      %sub3A_489 = vector.broadcast %sub3A_488 : i32 to vector<16xi32>
      %sub3A_490 = arith.subi %sub3A_489, %min3A_480 : vector<16xi32>
      %max3A_491 = arith.maxsi %max3A_452, %sub3A_490 : vector<16xi32>
      %mul3A_492 = arith.constant 9999 : i32
      %mul3A_493 = vector.broadcast %mul3A_492 : i32 to vector<16xi32>
      %mul3A_494 = arith.muli %mul3A_487, %mul3A_493 : vector<16xi32>
      %add3A_495 = arith.addi %get3A_477, %mul3A_494 : vector<16xi32>
      %add3A_496 = arith.constant 33280000 : i32
      %add3A_497 = vector.broadcast %add3A_496 : i32 to vector<16xi32>
      %add3A_498 = arith.addi %add3A_497, %mul3A_6 : vector<16xi32>
      %add3A_499 = arith.addi %add3A_498, %add3A_495 : vector<16xi32>
      %min3A_500 = arith.constant 1 : i32
      %min3A_501 = vector.broadcast %min3A_500 : i32 to vector<16xi32>
      %min3A_502 = arith.minsi %add3A_495, %min3A_501 : vector<16xi32>
      %convert_element_type3A_503 = arith.sitofp %min3A_502 : vector<16xi32> to vector<16xf32>
      %swap3A_504 = arith.constant 192 : index
      %swap3A_505 = tpu.vector_load %arg7[%swap3A_504] {strides = array<i32>} : memref<320xi32, #tpu.memory_space<vmem>>, vector<16xi32>,
      %swap3A_506 = vector.shape_cast %swap3A_505 : vector<16xi32> to vector<16xi32>
      %swap3A_507 = vector.shape_cast %add3A_499 : vector<16xi32> to vector<16xi32>
      tpu.vector_store %arg7[%swap3A_504], %swap3A_507 {strides = array<i32>} : memref<320xi32, #tpu.memory_space<vmem>>, vector<16xi32>,
      %swap3A_508 = arith.constant 192 : index
      %swap3A_509 = tpu.vector_load %arg8[%swap3A_508] {strides = array<i32>} : memref<320xf32, #tpu.memory_space<vmem>>, vector<16xf32>,
      %swap3A_510 = vector.shape_cast %swap3A_509 : vector<16xf32> to vector<16xf32>
      %swap3A_511 = vector.shape_cast %convert_element_type3A_503 : vector<16xf32> to vector<16xf32>
      tpu.vector_store %arg8[%swap3A_508], %swap3A_511 {strides = array<i32>} : memref<320xf32, #tpu.memory_space<vmem>>, vector<16xf32>,
      %get3A_512 = arith.constant 13 : i32
      %get3A_513 = arith.index_cast %get3A_512 : i32 to index
      %get3A_514 = arith.constant 0 : index
      %get3A_515 = tpu.vector_load %arg6[%get3A_513, %get3A_514] {strides = array<i32>} : memref<20x16xi32, #tpu.memory_space<vmem>>, vector<1x16xi32>,
      %get3A_516 = vector.shape_cast %get3A_515 : vector<1x16xi32> to vector<16xi32>
      %min3A_517 = arith.constant 1 : i32
      %min3A_518 = vector.broadcast %min3A_517 : i32 to vector<16xi32>
      %min3A_519 = arith.minsi %get3A_516, %min3A_518 : vector<16xi32>
      %sub3A_520 = arith.constant 1 : i32
      %sub3A_521 = vector.broadcast %sub3A_520 : i32 to vector<16xi32>
      %sub3A_522 = arith.subi %sub3A_521, %min3A_519 : vector<16xi32>
      %sub3A_523 = arith.constant 1 : i32
      %sub3A_524 = vector.broadcast %sub3A_523 : i32 to vector<16xi32>
      %sub3A_525 = arith.subi %sub3A_524, %max3A_491 : vector<16xi32>
      %mul3A_526 = arith.muli %sub3A_522, %sub3A_525 : vector<16xi32>
      %sub3A_527 = arith.constant 1 : i32
      %sub3A_528 = vector.broadcast %sub3A_527 : i32 to vector<16xi32>
      %sub3A_529 = arith.subi %sub3A_528, %min3A_519 : vector<16xi32>
      %max3A_530 = arith.maxsi %max3A_491, %sub3A_529 : vector<16xi32>
      %mul3A_531 = arith.constant 9999 : i32
      %mul3A_532 = vector.broadcast %mul3A_531 : i32 to vector<16xi32>
      %mul3A_533 = arith.muli %mul3A_526, %mul3A_532 : vector<16xi32>
      %add3A_534 = arith.addi %get3A_516, %mul3A_533 : vector<16xi32>
      %add3A_535 = arith.constant 35840000 : i32
      %add3A_536 = vector.broadcast %add3A_535 : i32 to vector<16xi32>
      %add3A_537 = arith.addi %add3A_536, %mul3A_6 : vector<16xi32>
      %add3A_538 = arith.addi %add3A_537, %add3A_534 : vector<16xi32>
      %min3A_539 = arith.constant 1 : i32
      %min3A_540 = vector.broadcast %min3A_539 : i32 to vector<16xi32>
      %min3A_541 = arith.minsi %add3A_534, %min3A_540 : vector<16xi32>
      %convert_element_type3A_542 = arith.sitofp %min3A_541 : vector<16xi32> to vector<16xf32>
      %swap3A_543 = arith.constant 208 : index
      %swap3A_544 = tpu.vector_load %arg7[%swap3A_543] {strides = array<i32>} : memref<320xi32, #tpu.memory_space<vmem>>, vector<16xi32>,
      %swap3A_545 = vector.shape_cast %swap3A_544 : vector<16xi32> to vector<16xi32>
      %swap3A_546 = vector.shape_cast %add3A_538 : vector<16xi32> to vector<16xi32>
      tpu.vector_store %arg7[%swap3A_543], %swap3A_546 {strides = array<i32>} : memref<320xi32, #tpu.memory_space<vmem>>, vector<16xi32>,
      %swap3A_547 = arith.constant 208 : index
      %swap3A_548 = tpu.vector_load %arg8[%swap3A_547] {strides = array<i32>} : memref<320xf32, #tpu.memory_space<vmem>>, vector<16xf32>,
      %swap3A_549 = vector.shape_cast %swap3A_548 : vector<16xf32> to vector<16xf32>
      %swap3A_550 = vector.shape_cast %convert_element_type3A_542 : vector<16xf32> to vector<16xf32>
      tpu.vector_store %arg8[%swap3A_547], %swap3A_550 {strides = array<i32>} : memref<320xf32, #tpu.memory_space<vmem>>, vector<16xf32>,
      %get3A_551 = arith.constant 14 : i32
      %get3A_552 = arith.index_cast %get3A_551 : i32 to index
      %get3A_553 = arith.constant 0 : index
      %get3A_554 = tpu.vector_load %arg6[%get3A_552, %get3A_553] {strides = array<i32>} : memref<20x16xi32, #tpu.memory_space<vmem>>, vector<1x16xi32>,
      %get3A_555 = vector.shape_cast %get3A_554 : vector<1x16xi32> to vector<16xi32>
      %min3A_556 = arith.constant 1 : i32
      %min3A_557 = vector.broadcast %min3A_556 : i32 to vector<16xi32>
      %min3A_558 = arith.minsi %get3A_555, %min3A_557 : vector<16xi32>
      %sub3A_559 = arith.constant 1 : i32
      %sub3A_560 = vector.broadcast %sub3A_559 : i32 to vector<16xi32>
      %sub3A_561 = arith.subi %sub3A_560, %min3A_558 : vector<16xi32>
      %sub3A_562 = arith.constant 1 : i32
      %sub3A_563 = vector.broadcast %sub3A_562 : i32 to vector<16xi32>
      %sub3A_564 = arith.subi %sub3A_563, %max3A_530 : vector<16xi32>
      %mul3A_565 = arith.muli %sub3A_561, %sub3A_564 : vector<16xi32>
      %sub3A_566 = arith.constant 1 : i32
      %sub3A_567 = vector.broadcast %sub3A_566 : i32 to vector<16xi32>
      %sub3A_568 = arith.subi %sub3A_567, %min3A_558 : vector<16xi32>
      %max3A_569 = arith.maxsi %max3A_530, %sub3A_568 : vector<16xi32>
      %mul3A_570 = arith.constant 9999 : i32
      %mul3A_571 = vector.broadcast %mul3A_570 : i32 to vector<16xi32>
      %mul3A_572 = arith.muli %mul3A_565, %mul3A_571 : vector<16xi32>
      %add3A_573 = arith.addi %get3A_555, %mul3A_572 : vector<16xi32>
      %add3A_574 = arith.constant 38400000 : i32
      %add3A_575 = vector.broadcast %add3A_574 : i32 to vector<16xi32>
      %add3A_576 = arith.addi %add3A_575, %mul3A_6 : vector<16xi32>
      %add3A_577 = arith.addi %add3A_576, %add3A_573 : vector<16xi32>
      %min3A_578 = arith.constant 1 : i32
      %min3A_579 = vector.broadcast %min3A_578 : i32 to vector<16xi32>
      %min3A_580 = arith.minsi %add3A_573, %min3A_579 : vector<16xi32>
      %convert_element_type3A_581 = arith.sitofp %min3A_580 : vector<16xi32> to vector<16xf32>
      %swap3A_582 = arith.constant 224 : index
      %swap3A_583 = tpu.vector_load %arg7[%swap3A_582] {strides = array<i32>} : memref<320xi32, #tpu.memory_space<vmem>>, vector<16xi32>,
      %swap3A_584 = vector.shape_cast %swap3A_583 : vector<16xi32> to vector<16xi32>
      %swap3A_585 = vector.shape_cast %add3A_577 : vector<16xi32> to vector<16xi32>
      tpu.vector_store %arg7[%swap3A_582], %swap3A_585 {strides = array<i32>} : memref<320xi32, #tpu.memory_space<vmem>>, vector<16xi32>,
      %swap3A_586 = arith.constant 224 : index
      %swap3A_587 = tpu.vector_load %arg8[%swap3A_586] {strides = array<i32>} : memref<320xf32, #tpu.memory_space<vmem>>, vector<16xf32>,
      %swap3A_588 = vector.shape_cast %swap3A_587 : vector<16xf32> to vector<16xf32>
      %swap3A_589 = vector.shape_cast %convert_element_type3A_581 : vector<16xf32> to vector<16xf32>
      tpu.vector_store %arg8[%swap3A_586], %swap3A_589 {strides = array<i32>} : memref<320xf32, #tpu.memory_space<vmem>>, vector<16xf32>,
      %get3A_590 = arith.constant 15 : i32
      %get3A_591 = arith.index_cast %get3A_590 : i32 to index
      %get3A_592 = arith.constant 0 : index
      %get3A_593 = tpu.vector_load %arg6[%get3A_591, %get3A_592] {strides = array<i32>} : memref<20x16xi32, #tpu.memory_space<vmem>>, vector<1x16xi32>,
      %get3A_594 = vector.shape_cast %get3A_593 : vector<1x16xi32> to vector<16xi32>
      %min3A_595 = arith.constant 1 : i32
      %min3A_596 = vector.broadcast %min3A_595 : i32 to vector<16xi32>
      %min3A_597 = arith.minsi %get3A_594, %min3A_596 : vector<16xi32>
      %sub3A_598 = arith.constant 1 : i32
      %sub3A_599 = vector.broadcast %sub3A_598 : i32 to vector<16xi32>
      %sub3A_600 = arith.subi %sub3A_599, %min3A_597 : vector<16xi32>
      %sub3A_601 = arith.constant 1 : i32
      %sub3A_602 = vector.broadcast %sub3A_601 : i32 to vector<16xi32>
      %sub3A_603 = arith.subi %sub3A_602, %max3A_569 : vector<16xi32>
      %mul3A_604 = arith.muli %sub3A_600, %sub3A_603 : vector<16xi32>
      %sub3A_605 = arith.constant 1 : i32
      %sub3A_606 = vector.broadcast %sub3A_605 : i32 to vector<16xi32>
      %sub3A_607 = arith.subi %sub3A_606, %min3A_597 : vector<16xi32>
      %max3A_608 = arith.maxsi %max3A_569, %sub3A_607 : vector<16xi32>
      %mul3A_609 = arith.constant 9999 : i32
      %mul3A_610 = vector.broadcast %mul3A_609 : i32 to vector<16xi32>
      %mul3A_611 = arith.muli %mul3A_604, %mul3A_610 : vector<16xi32>
      %add3A_612 = arith.addi %get3A_594, %mul3A_611 : vector<16xi32>
      %add3A_613 = arith.constant 40960000 : i32
      %add3A_614 = vector.broadcast %add3A_613 : i32 to vector<16xi32>
      %add3A_615 = arith.addi %add3A_614, %mul3A_6 : vector<16xi32>
      %add3A_616 = arith.addi %add3A_615, %add3A_612 : vector<16xi32>
      %min3A_617 = arith.constant 1 : i32
      %min3A_618 = vector.broadcast %min3A_617 : i32 to vector<16xi32>
      %min3A_619 = arith.minsi %add3A_612, %min3A_618 : vector<16xi32>
      %convert_element_type3A_620 = arith.sitofp %min3A_619 : vector<16xi32> to vector<16xf32>
      %swap3A_621 = arith.constant 240 : index
      %swap3A_622 = tpu.vector_load %arg7[%swap3A_621] {strides = array<i32>} : memref<320xi32, #tpu.memory_space<vmem>>, vector<16xi32>,
      %swap3A_623 = vector.shape_cast %swap3A_622 : vector<16xi32> to vector<16xi32>
      %swap3A_624 = vector.shape_cast %add3A_616 : vector<16xi32> to vector<16xi32>
      tpu.vector_store %arg7[%swap3A_621], %swap3A_624 {strides = array<i32>} : memref<320xi32, #tpu.memory_space<vmem>>, vector<16xi32>,
      %swap3A_625 = arith.constant 240 : index
      %swap3A_626 = tpu.vector_load %arg8[%swap3A_625] {strides = array<i32>} : memref<320xf32, #tpu.memory_space<vmem>>, vector<16xf32>,
      %swap3A_627 = vector.shape_cast %swap3A_626 : vector<16xf32> to vector<16xf32>
      %swap3A_628 = vector.shape_cast %convert_element_type3A_620 : vector<16xf32> to vector<16xf32>
      tpu.vector_store %arg8[%swap3A_625], %swap3A_628 {strides = array<i32>} : memref<320xf32, #tpu.memory_space<vmem>>, vector<16xf32>,
      %get3A_629 = arith.constant 16 : i32
      %get3A_630 = arith.index_cast %get3A_629 : i32 to index
      %get3A_631 = arith.constant 0 : index
      %get3A_632 = tpu.vector_load %arg6[%get3A_630, %get3A_631] {strides = array<i32>} : memref<20x16xi32, #tpu.memory_space<vmem>>, vector<1x16xi32>,
      %get3A_633 = vector.shape_cast %get3A_632 : vector<1x16xi32> to vector<16xi32>
      %min3A_634 = arith.constant 1 : i32
      %min3A_635 = vector.broadcast %min3A_634 : i32 to vector<16xi32>
      %min3A_636 = arith.minsi %get3A_633, %min3A_635 : vector<16xi32>
      %sub3A_637 = arith.constant 1 : i32
      %sub3A_638 = vector.broadcast %sub3A_637 : i32 to vector<16xi32>
      %sub3A_639 = arith.subi %sub3A_638, %min3A_636 : vector<16xi32>
      %sub3A_640 = arith.constant 1 : i32
      %sub3A_641 = vector.broadcast %sub3A_640 : i32 to vector<16xi32>
      %sub3A_642 = arith.subi %sub3A_641, %max3A_608 : vector<16xi32>
      %mul3A_643 = arith.muli %sub3A_639, %sub3A_642 : vector<16xi32>
      %sub3A_644 = arith.constant 1 : i32
      %sub3A_645 = vector.broadcast %sub3A_644 : i32 to vector<16xi32>
      %sub3A_646 = arith.subi %sub3A_645, %min3A_636 : vector<16xi32>
      %max3A_647 = arith.maxsi %max3A_608, %sub3A_646 : vector<16xi32>
      %mul3A_648 = arith.constant 9999 : i32
      %mul3A_649 = vector.broadcast %mul3A_648 : i32 to vector<16xi32>
      %mul3A_650 = arith.muli %mul3A_643, %mul3A_649 : vector<16xi32>
      %add3A_651 = arith.addi %get3A_633, %mul3A_650 : vector<16xi32>
      %add3A_652 = arith.constant 43520000 : i32
      %add3A_653 = vector.broadcast %add3A_652 : i32 to vector<16xi32>
      %add3A_654 = arith.addi %add3A_653, %mul3A_6 : vector<16xi32>
      %add3A_655 = arith.addi %add3A_654, %add3A_651 : vector<16xi32>
      %min3A_656 = arith.constant 1 : i32
      %min3A_657 = vector.broadcast %min3A_656 : i32 to vector<16xi32>
      %min3A_658 = arith.minsi %add3A_651, %min3A_657 : vector<16xi32>
      %convert_element_type3A_659 = arith.sitofp %min3A_658 : vector<16xi32> to vector<16xf32>
      %swap3A_660 = arith.constant 256 : index
      %swap3A_661 = tpu.vector_load %arg7[%swap3A_660] {strides = array<i32>} : memref<320xi32, #tpu.memory_space<vmem>>, vector<16xi32>,
      %swap3A_662 = vector.shape_cast %swap3A_661 : vector<16xi32> to vector<16xi32>
      %swap3A_663 = vector.shape_cast %add3A_655 : vector<16xi32> to vector<16xi32>
      tpu.vector_store %arg7[%swap3A_660], %swap3A_663 {strides = array<i32>} : memref<320xi32, #tpu.memory_space<vmem>>, vector<16xi32>,
      %swap3A_664 = arith.constant 256 : index
      %swap3A_665 = tpu.vector_load %arg8[%swap3A_664] {strides = array<i32>} : memref<320xf32, #tpu.memory_space<vmem>>, vector<16xf32>,
      %swap3A_666 = vector.shape_cast %swap3A_665 : vector<16xf32> to vector<16xf32>
      %swap3A_667 = vector.shape_cast %convert_element_type3A_659 : vector<16xf32> to vector<16xf32>
      tpu.vector_store %arg8[%swap3A_664], %swap3A_667 {strides = array<i32>} : memref<320xf32, #tpu.memory_space<vmem>>, vector<16xf32>,
      %get3A_668 = arith.constant 17 : i32
      %get3A_669 = arith.index_cast %get3A_668 : i32 to index
      %get3A_670 = arith.constant 0 : index
      %get3A_671 = tpu.vector_load %arg6[%get3A_669, %get3A_670] {strides = array<i32>} : memref<20x16xi32, #tpu.memory_space<vmem>>, vector<1x16xi32>,
      %get3A_672 = vector.shape_cast %get3A_671 : vector<1x16xi32> to vector<16xi32>
      %min3A_673 = arith.constant 1 : i32
      %min3A_674 = vector.broadcast %min3A_673 : i32 to vector<16xi32>
      %min3A_675 = arith.minsi %get3A_672, %min3A_674 : vector<16xi32>
      %sub3A_676 = arith.constant 1 : i32
      %sub3A_677 = vector.broadcast %sub3A_676 : i32 to vector<16xi32>
      %sub3A_678 = arith.subi %sub3A_677, %min3A_675 : vector<16xi32>
      %sub3A_679 = arith.constant 1 : i32
      %sub3A_680 = vector.broadcast %sub3A_679 : i32 to vector<16xi32>
      %sub3A_681 = arith.subi %sub3A_680, %max3A_647 : vector<16xi32>
      %mul3A_682 = arith.muli %sub3A_678, %sub3A_681 : vector<16xi32>
      %sub3A_683 = arith.constant 1 : i32
      %sub3A_684 = vector.broadcast %sub3A_683 : i32 to vector<16xi32>
      %sub3A_685 = arith.subi %sub3A_684, %min3A_675 : vector<16xi32>
      %max3A_686 = arith.maxsi %max3A_647, %sub3A_685 : vector<16xi32>
      %mul3A_687 = arith.constant 9999 : i32
      %mul3A_688 = vector.broadcast %mul3A_687 : i32 to vector<16xi32>
      %mul3A_689 = arith.muli %mul3A_682, %mul3A_688 : vector<16xi32>
      %add3A_690 = arith.addi %get3A_672, %mul3A_689 : vector<16xi32>
      %add3A_691 = arith.constant 46080000 : i32
      %add3A_692 = vector.broadcast %add3A_691 : i32 to vector<16xi32>
      %add3A_693 = arith.addi %add3A_692, %mul3A_6 : vector<16xi32>
      %add3A_694 = arith.addi %add3A_693, %add3A_690 : vector<16xi32>
      %min3A_695 = arith.constant 1 : i32
      %min3A_696 = vector.broadcast %min3A_695 : i32 to vector<16xi32>
      %min3A_697 = arith.minsi %add3A_690, %min3A_696 : vector<16xi32>
      %convert_element_type3A_698 = arith.sitofp %min3A_697 : vector<16xi32> to vector<16xf32>
      %swap3A_699 = arith.constant 272 : index
      %swap3A_700 = tpu.vector_load %arg7[%swap3A_699] {strides = array<i32>} : memref<320xi32, #tpu.memory_space<vmem>>, vector<16xi32>,
      %swap3A_701 = vector.shape_cast %swap3A_700 : vector<16xi32> to vector<16xi32>
      %swap3A_702 = vector.shape_cast %add3A_694 : vector<16xi32> to vector<16xi32>
      tpu.vector_store %arg7[%swap3A_699], %swap3A_702 {strides = array<i32>} : memref<320xi32, #tpu.memory_space<vmem>>, vector<16xi32>,
      %swap3A_703 = arith.constant 272 : index
      %swap3A_704 = tpu.vector_load %arg8[%swap3A_703] {strides = array<i32>} : memref<320xf32, #tpu.memory_space<vmem>>, vector<16xf32>,
      %swap3A_705 = vector.shape_cast %swap3A_704 : vector<16xf32> to vector<16xf32>
      %swap3A_706 = vector.shape_cast %convert_element_type3A_698 : vector<16xf32> to vector<16xf32>
      tpu.vector_store %arg8[%swap3A_703], %swap3A_706 {strides = array<i32>} : memref<320xf32, #tpu.memory_space<vmem>>, vector<16xf32>,
      %get3A_707 = arith.constant 18 : i32
      %get3A_708 = arith.index_cast %get3A_707 : i32 to index
      %get3A_709 = arith.constant 0 : index
      %get3A_710 = tpu.vector_load %arg6[%get3A_708, %get3A_709] {strides = array<i32>} : memref<20x16xi32, #tpu.memory_space<vmem>>, vector<1x16xi32>,
      %get3A_711 = vector.shape_cast %get3A_710 : vector<1x16xi32> to vector<16xi32>
      %min3A_712 = arith.constant 1 : i32
      %min3A_713 = vector.broadcast %min3A_712 : i32 to vector<16xi32>
      %min3A_714 = arith.minsi %get3A_711, %min3A_713 : vector<16xi32>
      %sub3A_715 = arith.constant 1 : i32
      %sub3A_716 = vector.broadcast %sub3A_715 : i32 to vector<16xi32>
      %sub3A_717 = arith.subi %sub3A_716, %min3A_714 : vector<16xi32>
      %sub3A_718 = arith.constant 1 : i32
      %sub3A_719 = vector.broadcast %sub3A_718 : i32 to vector<16xi32>
      %sub3A_720 = arith.subi %sub3A_719, %max3A_686 : vector<16xi32>
      %mul3A_721 = arith.muli %sub3A_717, %sub3A_720 : vector<16xi32>
      %sub3A_722 = arith.constant 1 : i32
      %sub3A_723 = vector.broadcast %sub3A_722 : i32 to vector<16xi32>
      %sub3A_724 = arith.subi %sub3A_723, %min3A_714 : vector<16xi32>
      %max3A_725 = arith.maxsi %max3A_686, %sub3A_724 : vector<16xi32>
      %mul3A_726 = arith.constant 9999 : i32
      %mul3A_727 = vector.broadcast %mul3A_726 : i32 to vector<16xi32>
      %mul3A_728 = arith.muli %mul3A_721, %mul3A_727 : vector<16xi32>
      %add3A_729 = arith.addi %get3A_711, %mul3A_728 : vector<16xi32>
      %add3A_730 = arith.constant 48640000 : i32
      %add3A_731 = vector.broadcast %add3A_730 : i32 to vector<16xi32>
      %add3A_732 = arith.addi %add3A_731, %mul3A_6 : vector<16xi32>
      %add3A_733 = arith.addi %add3A_732, %add3A_729 : vector<16xi32>
      %min3A_734 = arith.constant 1 : i32
      %min3A_735 = vector.broadcast %min3A_734 : i32 to vector<16xi32>
      %min3A_736 = arith.minsi %add3A_729, %min3A_735 : vector<16xi32>
      %convert_element_type3A_737 = arith.sitofp %min3A_736 : vector<16xi32> to vector<16xf32>
      %swap3A_738 = arith.constant 288 : index
      %swap3A_739 = tpu.vector_load %arg7[%swap3A_738] {strides = array<i32>} : memref<320xi32, #tpu.memory_space<vmem>>, vector<16xi32>,
      %swap3A_740 = vector.shape_cast %swap3A_739 : vector<16xi32> to vector<16xi32>
      %swap3A_741 = vector.shape_cast %add3A_733 : vector<16xi32> to vector<16xi32>
      tpu.vector_store %arg7[%swap3A_738], %swap3A_741 {strides = array<i32>} : memref<320xi32, #tpu.memory_space<vmem>>, vector<16xi32>,
      %swap3A_742 = arith.constant 288 : index
      %swap3A_743 = tpu.vector_load %arg8[%swap3A_742] {strides = array<i32>} : memref<320xf32, #tpu.memory_space<vmem>>, vector<16xf32>,
      %swap3A_744 = vector.shape_cast %swap3A_743 : vector<16xf32> to vector<16xf32>
      %swap3A_745 = vector.shape_cast %convert_element_type3A_737 : vector<16xf32> to vector<16xf32>
      tpu.vector_store %arg8[%swap3A_742], %swap3A_745 {strides = array<i32>} : memref<320xf32, #tpu.memory_space<vmem>>, vector<16xf32>,
      %get3A_746 = arith.constant 19 : i32
      %get3A_747 = arith.index_cast %get3A_746 : i32 to index
      %get3A_748 = arith.constant 0 : index
      %get3A_749 = tpu.vector_load %arg6[%get3A_747, %get3A_748] {strides = array<i32>} : memref<20x16xi32, #tpu.memory_space<vmem>>, vector<1x16xi32>,
      %get3A_750 = vector.shape_cast %get3A_749 : vector<1x16xi32> to vector<16xi32>
      %min3A_751 = arith.constant 1 : i32
      %min3A_752 = vector.broadcast %min3A_751 : i32 to vector<16xi32>
      %min3A_753 = arith.minsi %get3A_750, %min3A_752 : vector<16xi32>
      %sub3A_754 = arith.constant 1 : i32
      %sub3A_755 = vector.broadcast %sub3A_754 : i32 to vector<16xi32>
      %sub3A_756 = arith.subi %sub3A_755, %min3A_753 : vector<16xi32>
      %sub3A_757 = arith.constant 1 : i32
      %sub3A_758 = vector.broadcast %sub3A_757 : i32 to vector<16xi32>
      %sub3A_759 = arith.subi %sub3A_758, %max3A_725 : vector<16xi32>
      %mul3A_760 = arith.muli %sub3A_756, %sub3A_759 : vector<16xi32>
      %sub3A_761 = arith.constant 1 : i32
      %sub3A_762 = vector.broadcast %sub3A_761 : i32 to vector<16xi32>
      %sub3A_763 = arith.subi %sub3A_762, %min3A_753 : vector<16xi32>
      %max3A_764 = arith.maxsi %max3A_725, %sub3A_763 : vector<16xi32>
      %mul3A_765 = arith.constant 9999 : i32
      %mul3A_766 = vector.broadcast %mul3A_765 : i32 to vector<16xi32>
      %mul3A_767 = arith.muli %mul3A_760, %mul3A_766 : vector<16xi32>
      %add3A_768 = arith.addi %get3A_750, %mul3A_767 : vector<16xi32>
      %add3A_769 = arith.constant 51200000 : i32
      %add3A_770 = vector.broadcast %add3A_769 : i32 to vector<16xi32>
      %add3A_771 = arith.addi %add3A_770, %mul3A_6 : vector<16xi32>
      %add3A_772 = arith.addi %add3A_771, %add3A_768 : vector<16xi32>
      %min3A_773 = arith.constant 1 : i32
      %min3A_774 = vector.broadcast %min3A_773 : i32 to vector<16xi32>
      %min3A_775 = arith.minsi %add3A_768, %min3A_774 : vector<16xi32>
      %convert_element_type3A_776 = arith.sitofp %min3A_775 : vector<16xi32> to vector<16xf32>
      %swap3A_777 = arith.constant 304 : index
      %swap3A_778 = tpu.vector_load %arg7[%swap3A_777] {strides = array<i32>} : memref<320xi32, #tpu.memory_space<vmem>>, vector<16xi32>,
      %swap3A_779 = vector.shape_cast %swap3A_778 : vector<16xi32> to vector<16xi32>
      %swap3A_780 = vector.shape_cast %add3A_772 : vector<16xi32> to vector<16xi32>
      tpu.vector_store %arg7[%swap3A_777], %swap3A_780 {strides = array<i32>} : memref<320xi32, #tpu.memory_space<vmem>>, vector<16xi32>,
      %swap3A_781 = arith.constant 304 : index
      %swap3A_782 = tpu.vector_load %arg8[%swap3A_781] {strides = array<i32>} : memref<320xf32, #tpu.memory_space<vmem>>, vector<16xf32>,
      %swap3A_783 = vector.shape_cast %swap3A_782 : vector<16xf32> to vector<16xf32>
      %swap3A_784 = vector.shape_cast %convert_element_type3A_776 : vector<16xf32> to vector<16xf32>
      tpu.vector_store %arg8[%swap3A_781], %swap3A_784 {strides = array<i32>} : memref<320xf32, #tpu.memory_space<vmem>>, vector<16xf32>,
      %dma_start3A = arith.constant 0 : i32
      %dma_start3A_785 = tpu.memref_slice %arg9[%dma_start3A] : memref<320xf32, #tpu.memory_space<vmem>> -> memref<80xf32, #tpu.memory_space<vmem>>
      %dma_start3A_786 = arith.constant 0 : i32
      %dma_start3A_787 = tpu.memref_slice %arg7[%dma_start3A_786] : memref<320xi32, #tpu.memory_space<vmem>> -> memref<80xi32, #tpu.memory_space<vmem>>
      %dma_start3A_788 = arith.constant 0 : i32
      %dma_start3A_789 = tpu.memref_slice %arg2[%dma_start3A_788] : memref<56320000xf32, #tpu.memory_space<hbm>> -> memref<56320000xf32, #tpu.memory_space<hbm>>
      tpu.enqueue_indirect_dma source(%dma_start3A_789 : memref<56320000xf32, #tpu.memory_space<hbm>>) target(%dma_start3A_785 : memref<80xf32, #tpu.memory_space<vmem>>) offsets(%dma_start3A_787 : memref<80xi32, #tpu.memory_space<vmem>>) semaphore(%arg12 : memref<!tpu.dma_semaphore, #tpu.memory_space<semaphore_mem>>)
      %dma_start3A_790 = arith.constant 80 : i32
      %dma_start3A_791 = tpu.memref_slice %arg9[%dma_start3A_790] : memref<320xf32, #tpu.memory_space<vmem>> -> memref<80xf32, #tpu.memory_space<vmem>>
      %dma_start3A_792 = arith.constant 80 : i32
      %dma_start3A_793 = tpu.memref_slice %arg7[%dma_start3A_792] : memref<320xi32, #tpu.memory_space<vmem>> -> memref<80xi32, #tpu.memory_space<vmem>>
      %dma_start3A_794 = arith.constant 0 : i32
      %dma_start3A_795 = tpu.memref_slice %arg2[%dma_start3A_794] : memref<56320000xf32, #tpu.memory_space<hbm>> -> memref<56320000xf32, #tpu.memory_space<hbm>>
      tpu.enqueue_indirect_dma source(%dma_start3A_795 : memref<56320000xf32, #tpu.memory_space<hbm>>) target(%dma_start3A_791 : memref<80xf32, #tpu.memory_space<vmem>>) offsets(%dma_start3A_793 : memref<80xi32, #tpu.memory_space<vmem>>) semaphore(%arg12 : memref<!tpu.dma_semaphore, #tpu.memory_space<semaphore_mem>>)
      %dma_start3A_796 = arith.constant 160 : i32
      %dma_start3A_797 = tpu.memref_slice %arg9[%dma_start3A_796] : memref<320xf32, #tpu.memory_space<vmem>> -> memref<80xf32, #tpu.memory_space<vmem>>
      %dma_start3A_798 = arith.constant 160 : i32
      %dma_start3A_799 = tpu.memref_slice %arg7[%dma_start3A_798] : memref<320xi32, #tpu.memory_space<vmem>> -> memref<80xi32, #tpu.memory_space<vmem>>
      %dma_start3A_800 = arith.constant 0 : i32
      %dma_start3A_801 = tpu.memref_slice %arg2[%dma_start3A_800] : memref<56320000xf32, #tpu.memory_space<hbm>> -> memref<56320000xf32, #tpu.memory_space<hbm>>
      tpu.enqueue_indirect_dma source(%dma_start3A_801 : memref<56320000xf32, #tpu.memory_space<hbm>>) target(%dma_start3A_797 : memref<80xf32, #tpu.memory_space<vmem>>) offsets(%dma_start3A_799 : memref<80xi32, #tpu.memory_space<vmem>>) semaphore(%arg12 : memref<!tpu.dma_semaphore, #tpu.memory_space<semaphore_mem>>)
      %dma_start3A_802 = arith.constant 240 : i32
      %dma_start3A_803 = tpu.memref_slice %arg9[%dma_start3A_802] : memref<320xf32, #tpu.memory_space<vmem>> -> memref<80xf32, #tpu.memory_space<vmem>>
      %dma_start3A_804 = arith.constant 240 : i32
      %dma_start3A_805 = tpu.memref_slice %arg7[%dma_start3A_804] : memref<320xi32, #tpu.memory_space<vmem>> -> memref<80xi32, #tpu.memory_space<vmem>>
      %dma_start3A_806 = arith.constant 0 : i32
      %dma_start3A_807 = tpu.memref_slice %arg2[%dma_start3A_806] : memref<56320000xf32, #tpu.memory_space<hbm>> -> memref<56320000xf32, #tpu.memory_space<hbm>>
      tpu.enqueue_indirect_dma source(%dma_start3A_807 : memref<56320000xf32, #tpu.memory_space<hbm>>) target(%dma_start3A_803 : memref<80xf32, #tpu.memory_space<vmem>>) offsets(%dma_start3A_805 : memref<80xi32, #tpu.memory_space<vmem>>) semaphore(%arg12 : memref<!tpu.dma_semaphore, #tpu.memory_space<semaphore_mem>>)
      %dma_wait3A = arith.constant 0 : i32
      %dma_wait3A_808 = tpu.memref_slice %arg9[%dma_wait3A] : memref<320xf32, #tpu.memory_space<vmem>> -> memref<80xf32, #tpu.memory_space<vmem>>
      %dma_wait3A_809 = arith.constant 0 : i32
      %dma_wait3A_810 = tpu.memref_slice %arg7[%dma_wait3A_809] : memref<320xi32, #tpu.memory_space<vmem>> -> memref<80xi32, #tpu.memory_space<vmem>>
      %dma_wait3A_811 = arith.constant 0 : i32
      %dma_wait3A_812 = tpu.memref_slice %arg2[%dma_wait3A_811] : memref<56320000xf32, #tpu.memory_space<hbm>> -> memref<56320000xf32, #tpu.memory_space<hbm>>
      tpu.wait_indirect_dma semaphore(%arg12 : memref<!tpu.dma_semaphore, #tpu.memory_space<semaphore_mem>>) src(%dma_wait3A_812 : memref<56320000xf32, #tpu.memory_space<hbm>>) dst(%dma_wait3A_808 : memref<80xf32, #tpu.memory_space<vmem>>)
      %dma_wait3A_813 = arith.constant 80 : i32
      %dma_wait3A_814 = tpu.memref_slice %arg9[%dma_wait3A_813] : memref<320xf32, #tpu.memory_space<vmem>> -> memref<80xf32, #tpu.memory_space<vmem>>
      %dma_wait3A_815 = arith.constant 80 : i32
      %dma_wait3A_816 = tpu.memref_slice %arg7[%dma_wait3A_815] : memref<320xi32, #tpu.memory_space<vmem>> -> memref<80xi32, #tpu.memory_space<vmem>>
      %dma_wait3A_817 = arith.constant 0 : i32
      %dma_wait3A_818 = tpu.memref_slice %arg2[%dma_wait3A_817] : memref<56320000xf32, #tpu.memory_space<hbm>> -> memref<56320000xf32, #tpu.memory_space<hbm>>
      tpu.wait_indirect_dma semaphore(%arg12 : memref<!tpu.dma_semaphore, #tpu.memory_space<semaphore_mem>>) src(%dma_wait3A_818 : memref<56320000xf32, #tpu.memory_space<hbm>>) dst(%dma_wait3A_814 : memref<80xf32, #tpu.memory_space<vmem>>)
      %dma_wait3A_819 = arith.constant 160 : i32
      %dma_wait3A_820 = tpu.memref_slice %arg9[%dma_wait3A_819] : memref<320xf32, #tpu.memory_space<vmem>> -> memref<80xf32, #tpu.memory_space<vmem>>
      %dma_wait3A_821 = arith.constant 160 : i32
      %dma_wait3A_822 = tpu.memref_slice %arg7[%dma_wait3A_821] : memref<320xi32, #tpu.memory_space<vmem>> -> memref<80xi32, #tpu.memory_space<vmem>>
      %dma_wait3A_823 = arith.constant 0 : i32
      %dma_wait3A_824 = tpu.memref_slice %arg2[%dma_wait3A_823] : memref<56320000xf32, #tpu.memory_space<hbm>> -> memref<56320000xf32, #tpu.memory_space<hbm>>
      tpu.wait_indirect_dma semaphore(%arg12 : memref<!tpu.dma_semaphore, #tpu.memory_space<semaphore_mem>>) src(%dma_wait3A_824 : memref<56320000xf32, #tpu.memory_space<hbm>>) dst(%dma_wait3A_820 : memref<80xf32, #tpu.memory_space<vmem>>)
      %dma_wait3A_825 = arith.constant 240 : i32
      %dma_wait3A_826 = tpu.memref_slice %arg9[%dma_wait3A_825] : memref<320xf32, #tpu.memory_space<vmem>> -> memref<80xf32, #tpu.memory_space<vmem>>
      %dma_wait3A_827 = arith.constant 240 : i32
      %dma_wait3A_828 = tpu.memref_slice %arg7[%dma_wait3A_827] : memref<320xi32, #tpu.memory_space<vmem>> -> memref<80xi32, #tpu.memory_space<vmem>>
      %dma_wait3A_829 = arith.constant 0 : i32
      %dma_wait3A_830 = tpu.memref_slice %arg2[%dma_wait3A_829] : memref<56320000xf32, #tpu.memory_space<hbm>> -> memref<56320000xf32, #tpu.memory_space<hbm>>
      tpu.wait_indirect_dma semaphore(%arg12 : memref<!tpu.dma_semaphore, #tpu.memory_space<semaphore_mem>>) src(%dma_wait3A_830 : memref<56320000xf32, #tpu.memory_space<hbm>>) dst(%dma_wait3A_826 : memref<80xf32, #tpu.memory_space<vmem>>)
      %get3A_831 = arith.constant 0 : index
      %get3A_832 = tpu.vector_load %arg9[%get3A_831] {strides = array<i32>} : memref<320xf32, #tpu.memory_space<vmem>>, vector<16xf32>,
      %get3A_833 = vector.shape_cast %get3A_832 : vector<16xf32> to vector<16xf32>
      %get3A_834 = arith.constant 0 : index
      %get3A_835 = tpu.vector_load %arg8[%get3A_834] {strides = array<i32>} : memref<320xf32, #tpu.memory_space<vmem>>, vector<16xf32>,
      %get3A_836 = vector.shape_cast %get3A_835 : vector<16xf32> to vector<16xf32>
      %mul3A_837 = arith.mulf %get3A_833, %get3A_836 : vector<16xf32>
      %get3A_838 = arith.constant 16 : index
      %get3A_839 = tpu.vector_load %arg9[%get3A_838] {strides = array<i32>} : memref<320xf32, #tpu.memory_space<vmem>>, vector<16xf32>,
      %get3A_840 = vector.shape_cast %get3A_839 : vector<16xf32> to vector<16xf32>
      %get3A_841 = arith.constant 16 : index
      %get3A_842 = tpu.vector_load %arg8[%get3A_841] {strides = array<i32>} : memref<320xf32, #tpu.memory_space<vmem>>, vector<16xf32>,
      %get3A_843 = vector.shape_cast %get3A_842 : vector<16xf32> to vector<16xf32>
      %mul3A_844 = arith.mulf %get3A_840, %get3A_843 : vector<16xf32>
      %add3A_845 = arith.addf %mul3A_837, %mul3A_844 : vector<16xf32>
      %add3A_846 = arith.addf %get3A_836, %get3A_843 : vector<16xf32>
      %get3A_847 = arith.constant 32 : index
      %get3A_848 = tpu.vector_load %arg9[%get3A_847] {strides = array<i32>} : memref<320xf32, #tpu.memory_space<vmem>>, vector<16xf32>,
      %get3A_849 = vector.shape_cast %get3A_848 : vector<16xf32> to vector<16xf32>
      %get3A_850 = arith.constant 32 : index
      %get3A_851 = tpu.vector_load %arg8[%get3A_850] {strides = array<i32>} : memref<320xf32, #tpu.memory_space<vmem>>, vector<16xf32>,
      %get3A_852 = vector.shape_cast %get3A_851 : vector<16xf32> to vector<16xf32>
      %mul3A_853 = arith.mulf %get3A_849, %get3A_852 : vector<16xf32>
      %add3A_854 = arith.addf %add3A_845, %mul3A_853 : vector<16xf32>
      %add3A_855 = arith.addf %add3A_846, %get3A_852 : vector<16xf32>
      %get3A_856 = arith.constant 48 : index
      %get3A_857 = tpu.vector_load %arg9[%get3A_856] {strides = array<i32>} : memref<320xf32, #tpu.memory_space<vmem>>, vector<16xf32>,
      %get3A_858 = vector.shape_cast %get3A_857 : vector<16xf32> to vector<16xf32>
      %get3A_859 = arith.constant 48 : index
      %get3A_860 = tpu.vector_load %arg8[%get3A_859] {strides = array<i32>} : memref<320xf32, #tpu.memory_space<vmem>>, vector<16xf32>,
      %get3A_861 = vector.shape_cast %get3A_860 : vector<16xf32> to vector<16xf32>
      %mul3A_862 = arith.mulf %get3A_858, %get3A_861 : vector<16xf32>
      %add3A_863 = arith.addf %add3A_854, %mul3A_862 : vector<16xf32>
      %add3A_864 = arith.addf %add3A_855, %get3A_861 : vector<16xf32>
      %get3A_865 = arith.constant 64 : index
      %get3A_866 = tpu.vector_load %arg9[%get3A_865] {strides = array<i32>} : memref<320xf32, #tpu.memory_space<vmem>>, vector<16xf32>,
      %get3A_867 = vector.shape_cast %get3A_866 : vector<16xf32> to vector<16xf32>
      %get3A_868 = arith.constant 64 : index
      %get3A_869 = tpu.vector_load %arg8[%get3A_868] {strides = array<i32>} : memref<320xf32, #tpu.memory_space<vmem>>, vector<16xf32>,
      %get3A_870 = vector.shape_cast %get3A_869 : vector<16xf32> to vector<16xf32>
      %mul3A_871 = arith.mulf %get3A_867, %get3A_870 : vector<16xf32>
      %add3A_872 = arith.addf %add3A_863, %mul3A_871 : vector<16xf32>
      %add3A_873 = arith.addf %add3A_864, %get3A_870 : vector<16xf32>
      %get3A_874 = arith.constant 80 : index
      %get3A_875 = tpu.vector_load %arg9[%get3A_874] {strides = array<i32>} : memref<320xf32, #tpu.memory_space<vmem>>, vector<16xf32>,
      %get3A_876 = vector.shape_cast %get3A_875 : vector<16xf32> to vector<16xf32>
      %get3A_877 = arith.constant 80 : index
      %get3A_878 = tpu.vector_load %arg8[%get3A_877] {strides = array<i32>} : memref<320xf32, #tpu.memory_space<vmem>>, vector<16xf32>,
      %get3A_879 = vector.shape_cast %get3A_878 : vector<16xf32> to vector<16xf32>
      %mul3A_880 = arith.mulf %get3A_876, %get3A_879 : vector<16xf32>
      %add3A_881 = arith.addf %add3A_872, %mul3A_880 : vector<16xf32>
      %add3A_882 = arith.addf %add3A_873, %get3A_879 : vector<16xf32>
      %get3A_883 = arith.constant 96 : index
      %get3A_884 = tpu.vector_load %arg9[%get3A_883] {strides = array<i32>} : memref<320xf32, #tpu.memory_space<vmem>>, vector<16xf32>,
      %get3A_885 = vector.shape_cast %get3A_884 : vector<16xf32> to vector<16xf32>
      %get3A_886 = arith.constant 96 : index
      %get3A_887 = tpu.vector_load %arg8[%get3A_886] {strides = array<i32>} : memref<320xf32, #tpu.memory_space<vmem>>, vector<16xf32>,
      %get3A_888 = vector.shape_cast %get3A_887 : vector<16xf32> to vector<16xf32>
      %mul3A_889 = arith.mulf %get3A_885, %get3A_888 : vector<16xf32>
      %add3A_890 = arith.addf %add3A_881, %mul3A_889 : vector<16xf32>
      %add3A_891 = arith.addf %add3A_882, %get3A_888 : vector<16xf32>
      %get3A_892 = arith.constant 112 : index
      %get3A_893 = tpu.vector_load %arg9[%get3A_892] {strides = array<i32>} : memref<320xf32, #tpu.memory_space<vmem>>, vector<16xf32>,
      %get3A_894 = vector.shape_cast %get3A_893 : vector<16xf32> to vector<16xf32>
      %get3A_895 = arith.constant 112 : index
      %get3A_896 = tpu.vector_load %arg8[%get3A_895] {strides = array<i32>} : memref<320xf32, #tpu.memory_space<vmem>>, vector<16xf32>,
      %get3A_897 = vector.shape_cast %get3A_896 : vector<16xf32> to vector<16xf32>
      %mul3A_898 = arith.mulf %get3A_894, %get3A_897 : vector<16xf32>
      %add3A_899 = arith.addf %add3A_890, %mul3A_898 : vector<16xf32>
      %add3A_900 = arith.addf %add3A_891, %get3A_897 : vector<16xf32>
      %get3A_901 = arith.constant 128 : index
      %get3A_902 = tpu.vector_load %arg9[%get3A_901] {strides = array<i32>} : memref<320xf32, #tpu.memory_space<vmem>>, vector<16xf32>,
      %get3A_903 = vector.shape_cast %get3A_902 : vector<16xf32> to vector<16xf32>
      %get3A_904 = arith.constant 128 : index
      %get3A_905 = tpu.vector_load %arg8[%get3A_904] {strides = array<i32>} : memref<320xf32, #tpu.memory_space<vmem>>, vector<16xf32>,
      %get3A_906 = vector.shape_cast %get3A_905 : vector<16xf32> to vector<16xf32>
      %mul3A_907 = arith.mulf %get3A_903, %get3A_906 : vector<16xf32>
      %add3A_908 = arith.addf %add3A_899, %mul3A_907 : vector<16xf32>
      %add3A_909 = arith.addf %add3A_900, %get3A_906 : vector<16xf32>
      %get3A_910 = arith.constant 144 : index
      %get3A_911 = tpu.vector_load %arg9[%get3A_910] {strides = array<i32>} : memref<320xf32, #tpu.memory_space<vmem>>, vector<16xf32>,
      %get3A_912 = vector.shape_cast %get3A_911 : vector<16xf32> to vector<16xf32>
      %get3A_913 = arith.constant 144 : index
      %get3A_914 = tpu.vector_load %arg8[%get3A_913] {strides = array<i32>} : memref<320xf32, #tpu.memory_space<vmem>>, vector<16xf32>,
      %get3A_915 = vector.shape_cast %get3A_914 : vector<16xf32> to vector<16xf32>
      %mul3A_916 = arith.mulf %get3A_912, %get3A_915 : vector<16xf32>
      %add3A_917 = arith.addf %add3A_908, %mul3A_916 : vector<16xf32>
      %add3A_918 = arith.addf %add3A_909, %get3A_915 : vector<16xf32>
      %get3A_919 = arith.constant 160 : index
      %get3A_920 = tpu.vector_load %arg9[%get3A_919] {strides = array<i32>} : memref<320xf32, #tpu.memory_space<vmem>>, vector<16xf32>,
      %get3A_921 = vector.shape_cast %get3A_920 : vector<16xf32> to vector<16xf32>
      %get3A_922 = arith.constant 160 : index
      %get3A_923 = tpu.vector_load %arg8[%get3A_922] {strides = array<i32>} : memref<320xf32, #tpu.memory_space<vmem>>, vector<16xf32>,
      %get3A_924 = vector.shape_cast %get3A_923 : vector<16xf32> to vector<16xf32>
      %mul3A_925 = arith.mulf %get3A_921, %get3A_924 : vector<16xf32>
      %add3A_926 = arith.addf %add3A_917, %mul3A_925 : vector<16xf32>
      %add3A_927 = arith.addf %add3A_918, %get3A_924 : vector<16xf32>
      %get3A_928 = arith.constant 176 : index
      %get3A_929 = tpu.vector_load %arg9[%get3A_928] {strides = array<i32>} : memref<320xf32, #tpu.memory_space<vmem>>, vector<16xf32>,
      %get3A_930 = vector.shape_cast %get3A_929 : vector<16xf32> to vector<16xf32>
      %get3A_931 = arith.constant 176 : index
      %get3A_932 = tpu.vector_load %arg8[%get3A_931] {strides = array<i32>} : memref<320xf32, #tpu.memory_space<vmem>>, vector<16xf32>,
      %get3A_933 = vector.shape_cast %get3A_932 : vector<16xf32> to vector<16xf32>
      %mul3A_934 = arith.mulf %get3A_930, %get3A_933 : vector<16xf32>
      %add3A_935 = arith.addf %add3A_926, %mul3A_934 : vector<16xf32>
      %add3A_936 = arith.addf %add3A_927, %get3A_933 : vector<16xf32>
      %get3A_937 = arith.constant 192 : index
      %get3A_938 = tpu.vector_load %arg9[%get3A_937] {strides = array<i32>} : memref<320xf32, #tpu.memory_space<vmem>>, vector<16xf32>,
      %get3A_939 = vector.shape_cast %get3A_938 : vector<16xf32> to vector<16xf32>
      %get3A_940 = arith.constant 192 : index
      %get3A_941 = tpu.vector_load %arg8[%get3A_940] {strides = array<i32>} : memref<320xf32, #tpu.memory_space<vmem>>, vector<16xf32>,
      %get3A_942 = vector.shape_cast %get3A_941 : vector<16xf32> to vector<16xf32>
      %mul3A_943 = arith.mulf %get3A_939, %get3A_942 : vector<16xf32>
      %add3A_944 = arith.addf %add3A_935, %mul3A_943 : vector<16xf32>
      %add3A_945 = arith.addf %add3A_936, %get3A_942 : vector<16xf32>
      %get3A_946 = arith.constant 208 : index
      %get3A_947 = tpu.vector_load %arg9[%get3A_946] {strides = array<i32>} : memref<320xf32, #tpu.memory_space<vmem>>, vector<16xf32>,
      %get3A_948 = vector.shape_cast %get3A_947 : vector<16xf32> to vector<16xf32>
      %get3A_949 = arith.constant 208 : index
      %get3A_950 = tpu.vector_load %arg8[%get3A_949] {strides = array<i32>} : memref<320xf32, #tpu.memory_space<vmem>>, vector<16xf32>,
      %get3A_951 = vector.shape_cast %get3A_950 : vector<16xf32> to vector<16xf32>
      %mul3A_952 = arith.mulf %get3A_948, %get3A_951 : vector<16xf32>
      %add3A_953 = arith.addf %add3A_944, %mul3A_952 : vector<16xf32>
      %add3A_954 = arith.addf %add3A_945, %get3A_951 : vector<16xf32>
      %get3A_955 = arith.constant 224 : index
      %get3A_956 = tpu.vector_load %arg9[%get3A_955] {strides = array<i32>} : memref<320xf32, #tpu.memory_space<vmem>>, vector<16xf32>,
      %get3A_957 = vector.shape_cast %get3A_956 : vector<16xf32> to vector<16xf32>
      %get3A_958 = arith.constant 224 : index
      %get3A_959 = tpu.vector_load %arg8[%get3A_958] {strides = array<i32>} : memref<320xf32, #tpu.memory_space<vmem>>, vector<16xf32>,
      %get3A_960 = vector.shape_cast %get3A_959 : vector<16xf32> to vector<16xf32>
      %mul3A_961 = arith.mulf %get3A_957, %get3A_960 : vector<16xf32>
      %add3A_962 = arith.addf %add3A_953, %mul3A_961 : vector<16xf32>
      %add3A_963 = arith.addf %add3A_954, %get3A_960 : vector<16xf32>
      %get3A_964 = arith.constant 240 : index
      %get3A_965 = tpu.vector_load %arg9[%get3A_964] {strides = array<i32>} : memref<320xf32, #tpu.memory_space<vmem>>, vector<16xf32>,
      %get3A_966 = vector.shape_cast %get3A_965 : vector<16xf32> to vector<16xf32>
      %get3A_967 = arith.constant 240 : index
      %get3A_968 = tpu.vector_load %arg8[%get3A_967] {strides = array<i32>} : memref<320xf32, #tpu.memory_space<vmem>>, vector<16xf32>,
      %get3A_969 = vector.shape_cast %get3A_968 : vector<16xf32> to vector<16xf32>
      %mul3A_970 = arith.mulf %get3A_966, %get3A_969 : vector<16xf32>
      %add3A_971 = arith.addf %add3A_962, %mul3A_970 : vector<16xf32>
      %add3A_972 = arith.addf %add3A_963, %get3A_969 : vector<16xf32>
      %get3A_973 = arith.constant 256 : index
      %get3A_974 = tpu.vector_load %arg9[%get3A_973] {strides = array<i32>} : memref<320xf32, #tpu.memory_space<vmem>>, vector<16xf32>,
      %get3A_975 = vector.shape_cast %get3A_974 : vector<16xf32> to vector<16xf32>
      %get3A_976 = arith.constant 256 : index
      %get3A_977 = tpu.vector_load %arg8[%get3A_976] {strides = array<i32>} : memref<320xf32, #tpu.memory_space<vmem>>, vector<16xf32>,
      %get3A_978 = vector.shape_cast %get3A_977 : vector<16xf32> to vector<16xf32>
      %mul3A_979 = arith.mulf %get3A_975, %get3A_978 : vector<16xf32>
      %add3A_980 = arith.addf %add3A_971, %mul3A_979 : vector<16xf32>
      %add3A_981 = arith.addf %add3A_972, %get3A_978 : vector<16xf32>
      %get3A_982 = arith.constant 272 : index
      %get3A_983 = tpu.vector_load %arg9[%get3A_982] {strides = array<i32>} : memref<320xf32, #tpu.memory_space<vmem>>, vector<16xf32>,
      %get3A_984 = vector.shape_cast %get3A_983 : vector<16xf32> to vector<16xf32>
      %get3A_985 = arith.constant 272 : index
      %get3A_986 = tpu.vector_load %arg8[%get3A_985] {strides = array<i32>} : memref<320xf32, #tpu.memory_space<vmem>>, vector<16xf32>,
      %get3A_987 = vector.shape_cast %get3A_986 : vector<16xf32> to vector<16xf32>
      %mul3A_988 = arith.mulf %get3A_984, %get3A_987 : vector<16xf32>
      %add3A_989 = arith.addf %add3A_980, %mul3A_988 : vector<16xf32>
      %add3A_990 = arith.addf %add3A_981, %get3A_987 : vector<16xf32>
      %get3A_991 = arith.constant 288 : index
      %get3A_992 = tpu.vector_load %arg9[%get3A_991] {strides = array<i32>} : memref<320xf32, #tpu.memory_space<vmem>>, vector<16xf32>,
      %get3A_993 = vector.shape_cast %get3A_992 : vector<16xf32> to vector<16xf32>
      %get3A_994 = arith.constant 288 : index
      %get3A_995 = tpu.vector_load %arg8[%get3A_994] {strides = array<i32>} : memref<320xf32, #tpu.memory_space<vmem>>, vector<16xf32>,
      %get3A_996 = vector.shape_cast %get3A_995 : vector<16xf32> to vector<16xf32>
      %mul3A_997 = arith.mulf %get3A_993, %get3A_996 : vector<16xf32>
      %add3A_998 = arith.addf %add3A_989, %mul3A_997 : vector<16xf32>
      %add3A_999 = arith.addf %add3A_990, %get3A_996 : vector<16xf32>
      %get3A_1000 = arith.constant 304 : index
      %get3A_1001 = tpu.vector_load %arg9[%get3A_1000] {strides = array<i32>} : memref<320xf32, #tpu.memory_space<vmem>>, vector<16xf32>,
      %get3A_1002 = vector.shape_cast %get3A_1001 : vector<16xf32> to vector<16xf32>
      %get3A_1003 = arith.constant 304 : index
      %get3A_1004 = tpu.vector_load %arg8[%get3A_1003] {strides = array<i32>} : memref<320xf32, #tpu.memory_space<vmem>>, vector<16xf32>,
      %get3A_1005 = vector.shape_cast %get3A_1004 : vector<16xf32> to vector<16xf32>
      %mul3A_1006 = arith.mulf %get3A_1002, %get3A_1005 : vector<16xf32>
      %add3A_1007 = arith.addf %add3A_998, %mul3A_1006 : vector<16xf32>
      %add3A_1008 = arith.addf %add3A_999, %get3A_1005 : vector<16xf32>
      %swap3A_1009 = arith.constant 0 : index
      %swap3A_1010 = tpu.vector_load %arg10[%swap3A_1009] {strides = array<i32>} : memref<16xf32, #tpu.memory_space<vmem>>, vector<16xf32>,
      %swap3A_1011 = vector.shape_cast %swap3A_1010 : vector<16xf32> to vector<16xf32>
      %swap3A_1012 = vector.shape_cast %add3A_1007 : vector<16xf32> to vector<16xf32>
      tpu.vector_store %arg10[%swap3A_1009], %swap3A_1012 {strides = array<i32>} : memref<16xf32, #tpu.memory_space<vmem>>, vector<16xf32>,
      %swap3A_1013 = arith.constant 0 : index
      %swap3A_1014 = tpu.vector_load %arg11[%swap3A_1013] {strides = array<i32>} : memref<16xf32, #tpu.memory_space<vmem>>, vector<16xf32>,
      %swap3A_1015 = vector.shape_cast %swap3A_1014 : vector<16xf32> to vector<16xf32>
      %swap3A_1016 = vector.shape_cast %add3A_1008 : vector<16xf32> to vector<16xf32>
      tpu.vector_store %arg11[%swap3A_1013], %swap3A_1016 {strides = array<i32>} : memref<16xf32, #tpu.memory_space<vmem>>, vector<16xf32>,
      "tpu.region"() ({
        %run_scoped3A = tpu.sem_alloc : memref<!tpu.dma_semaphore, #tpu.memory_space<semaphore_mem>>
        %dma_start3A_1017 = arith.constant 0 : i32
        %dma_start3A_1018 = tpu.memref_slice %arg4[%arg1, %dma_start3A_1017] : memref<16x16xf32, #tpu.memory_space<hbm>> -> memref<1x16xf32, #tpu.memory_space<hbm>>
        %dma_start3A_1019 = tpu.memref_squeeze %dma_start3A_1018 : memref<1x16xf32, #tpu.memory_space<hbm>> -> memref<16xf32, #tpu.memory_space<hbm>>
        %dma_start3A_1020 = arith.constant 0 : i32
        %dma_start3A_1021 = tpu.memref_slice %arg4[%arg1, %dma_start3A_1020] : memref<16x16xf32, #tpu.memory_space<hbm>> -> memref<1x16xf32, #tpu.memory_space<hbm>>
        %dma_start3A_1022 = tpu.memref_squeeze %dma_start3A_1021 : memref<1x16xf32, #tpu.memory_space<hbm>> -> memref<16xf32, #tpu.memory_space<hbm>>
        tpu.enqueue_dma source(%arg10 : memref<16xf32, #tpu.memory_space<vmem>>) target(%dma_start3A_1022 : memref<16xf32, #tpu.memory_space<hbm>>) target_semaphore(%run_scoped3A : memref<!tpu.dma_semaphore, #tpu.memory_space<semaphore_mem>>)
        %dma_wait3A_1023 = arith.constant 0 : i32
        %dma_wait3A_1024 = tpu.memref_slice %arg4[%arg1, %dma_wait3A_1023] : memref<16x16xf32, #tpu.memory_space<hbm>> -> memref<1x16xf32, #tpu.memory_space<hbm>>
        %dma_wait3A_1025 = tpu.memref_squeeze %dma_wait3A_1024 : memref<1x16xf32, #tpu.memory_space<hbm>> -> memref<16xf32, #tpu.memory_space<hbm>>
        %dma_wait3A_1026 = arith.constant 0 : i32
        %dma_wait3A_1027 = tpu.memref_slice %arg4[%arg1, %dma_wait3A_1026] : memref<16x16xf32, #tpu.memory_space<hbm>> -> memref<1x16xf32, #tpu.memory_space<hbm>>
        %dma_wait3A_1028 = tpu.memref_squeeze %dma_wait3A_1027 : memref<1x16xf32, #tpu.memory_space<hbm>> -> memref<16xf32, #tpu.memory_space<hbm>>
        tpu.wait_dma2 semaphore(%run_scoped3A : memref<!tpu.dma_semaphore, #tpu.memory_space<semaphore_mem>>) src(%arg10 : memref<16xf32, #tpu.memory_space<vmem>>) dst(%dma_wait3A_1028 : memref<16xf32, #tpu.memory_space<hbm>>)
        tpu.yield
      }) : () -> ()
      "tpu.region"() ({
        %run_scoped3A = tpu.sem_alloc : memref<!tpu.dma_semaphore, #tpu.memory_space<semaphore_mem>>
        %dma_start3A_1017 = arith.constant 0 : i32
        %dma_start3A_1018 = tpu.memref_slice %arg5[%arg1, %dma_start3A_1017] : memref<16x16xf32, #tpu.memory_space<hbm>> -> memref<1x16xf32, #tpu.memory_space<hbm>>
        %dma_start3A_1019 = tpu.memref_squeeze %dma_start3A_1018 : memref<1x16xf32, #tpu.memory_space<hbm>> -> memref<16xf32, #tpu.memory_space<hbm>>
        %dma_start3A_1020 = arith.constant 0 : i32
        %dma_start3A_1021 = tpu.memref_slice %arg5[%arg1, %dma_start3A_1020] : memref<16x16xf32, #tpu.memory_space<hbm>> -> memref<1x16xf32, #tpu.memory_space<hbm>>
        %dma_start3A_1022 = tpu.memref_squeeze %dma_start3A_1021 : memref<1x16xf32, #tpu.memory_space<hbm>> -> memref<16xf32, #tpu.memory_space<hbm>>
        tpu.enqueue_dma source(%arg11 : memref<16xf32, #tpu.memory_space<vmem>>) target(%dma_start3A_1022 : memref<16xf32, #tpu.memory_space<hbm>>) target_semaphore(%run_scoped3A : memref<!tpu.dma_semaphore, #tpu.memory_space<semaphore_mem>>)
        %dma_wait3A_1023 = arith.constant 0 : i32
        %dma_wait3A_1024 = tpu.memref_slice %arg5[%arg1, %dma_wait3A_1023] : memref<16x16xf32, #tpu.memory_space<hbm>> -> memref<1x16xf32, #tpu.memory_space<hbm>>
        %dma_wait3A_1025 = tpu.memref_squeeze %dma_wait3A_1024 : memref<1x16xf32, #tpu.memory_space<hbm>> -> memref<16xf32, #tpu.memory_space<hbm>>
        %dma_wait3A_1026 = arith.constant 0 : i32
        %dma_wait3A_1027 = tpu.memref_slice %arg5[%arg1, %dma_wait3A_1026] : memref<16x16xf32, #tpu.memory_space<hbm>> -> memref<1x16xf32, #tpu.memory_space<hbm>>
        %dma_wait3A_1028 = tpu.memref_squeeze %dma_wait3A_1027 : memref<1x16xf32, #tpu.memory_space<hbm>> -> memref<16xf32, #tpu.memory_space<hbm>>
        tpu.wait_dma2 semaphore(%run_scoped3A : memref<!tpu.dma_semaphore, #tpu.memory_space<semaphore_mem>>) src(%arg11 : memref<16xf32, #tpu.memory_space<vmem>>) dst(%dma_wait3A_1028 : memref<16xf32, #tpu.memory_space<hbm>>)
        tpu.yield
      }) : () -> ()
    } else {
    }
    return
  }
}

module attributes {stable_mosaic.version = 14 : i64} {
  func.func @_fold_kernel(%arg0: memref<16x16xf32, #tpu.memory_space<vmem>>, %arg1: memref<16x16xf32, #tpu.memory_space<vmem>>, %arg2: memref<1x1xf32, #tpu.memory_space<vmem>>) attributes {dimension_semantics = [], scalar_prefetch = 0 : i64, scratch_operands = 0 : i64, tpu.core_type = #tpu.core_type<tc>} {
    %get3A = arith.constant 0 : index
    %get3A_0 = arith.constant 0 : index
    %get3A_1 = vector.load %arg0[%get3A, %get3A_0] : memref<16x16xf32, #tpu.memory_space<vmem>>, vector<16x16xf32>
    %reduce_sum3A = vector.shape_cast %get3A_1 : vector<16x16xf32> to vector<1x16x16xf32>
    %reduce_sum3A_2 = arith.constant dense<0.000000e+00> : vector<1xf32>
    %reduce_sum3A_3 = vector.multi_reduction <add>, %reduce_sum3A, %reduce_sum3A_2 [1, 2] : vector<1x16x16xf32> to vector<1xf32>
    %reduce_sum3A_4 = vector.shape_cast %reduce_sum3A_3 : vector<1xf32> to vector<1x1x1xf32>
    %reduce_sum3A_5 = vector.extract %reduce_sum3A_4[0, 0, 0] : f32 from vector<1x1x1xf32>
    %get3A_6 = arith.constant 0 : index
    %get3A_7 = arith.constant 0 : index
    %get3A_8 = vector.load %arg1[%get3A_6, %get3A_7] : memref<16x16xf32, #tpu.memory_space<vmem>>, vector<16x16xf32>
    %reduce_sum3A_9 = vector.shape_cast %get3A_8 : vector<16x16xf32> to vector<1x16x16xf32>
    %reduce_sum3A_10 = arith.constant dense<0.000000e+00> : vector<1xf32>
    %reduce_sum3A_11 = vector.multi_reduction <add>, %reduce_sum3A_9, %reduce_sum3A_10 [1, 2] : vector<1x16x16xf32> to vector<1xf32>
    %reduce_sum3A_12 = vector.shape_cast %reduce_sum3A_11 : vector<1xf32> to vector<1x1x1xf32>
    %reduce_sum3A_13 = vector.extract %reduce_sum3A_12[0, 0, 0] : f32 from vector<1x1x1xf32>
    %div3A = arith.divf %reduce_sum3A_5, %reduce_sum3A_13 : f32
    %neg3A = arith.constant 0.000000e+00 : f32
    %neg3A_14 = arith.subf %neg3A, %div3A : f32
    %broadcast_in_dim3A = vector.broadcast %neg3A_14 : f32 to vector<1x1xf32>
    %swap3A = arith.constant 0 : index
    %swap3A_15 = arith.constant 0 : index
    %swap3A_16 = vector.load %arg2[%swap3A, %swap3A_15] : memref<1x1xf32, #tpu.memory_space<vmem>>, vector<1x1xf32>
    tpu.vector_store %arg2[%swap3A, %swap3A_15], %broadcast_in_dim3A {strides = array<i32>} : memref<1x1xf32, #tpu.memory_space<vmem>>, vector<1x1xf32>,
    return
  }
}

</mosaic_0001>

<sc_bundles>
// kernel: kernel.4.cloned.1.call-start
scs
__scs_entry_jumppad:
0x0: {  	(pc) =	sbr.rel $0x88, $3  }
0x1: {  	(tag) =	ssettag $0x0;
	lr =	simm.s32 $0x1  }
0x2: {  	[smem:$0x3F9F] =	sst lr;
	_ =	strace $0xD0000000  }
0x3: {  	_ = 	snop  }
0x4: {  	_ = 	snop  }
0x5: {  	_ = 	snop  }
0x6: {  	_ = 	snop  }
0x7: {  	_ = 	snop  }
__scs_overlays_trampoline_lowered:
0x8: {  	[smem:$0x3FAE] =	sst s0  }
0x9: {  	[smem:$0x3FAF] =	sst s1  }
0xa: {  	[smem:$0x3FB0] =	sst s2  }
0xb: {  	[smem:$0x3FB1] =	sst s3  }
0xc: {  	[smem:$0x3FB2] =	sst s4  }
0xd: {  	[smem:$0x3FB3] =	sst s5  }
0xe: {  	[smem:$0x3FB4] =	sst s6  }
0xf: {  	[smem:$0x3FB5] =	sst s7  }
0x10: {  	[smem:$0x3FB6] =	sst s8  }
0x11: {  	[smem:$0x3FB7] =	sst s9;
	s0 =	simm.s32 @!p0 $0x0  }
0x12: {  	s1 =	sld [smem:$0x3F9D];
	s0 =	simm.s32 @p0 $0x1  }
0x13: {  	[smem:$0x3FB8] =	sst s0;
	s0 =	simm.s32 @!p1 $0x0  }
0x14: {  	s2 =	sld [smem:$0x3F9C];
	s0 =	simm.s32 @p1 $0x1  }
0x15: {  	[smem:$0x3FB9] =	sst s0;
	s0 =	simm.s32 @!p2 $0x0  }
0x16: {  	s3 =	sld [smem:$0x3FDB];
	s0 =	simm.s32 @p2 $0x1  }
0x17: {  	s4 =	simm.s32 $0x1BF5;
	[smem:$0x3FBB] =	sst s0  }
0x18: {  	s0 =	sld [smem:$0x3F9E];
	_ =	swait.ge [sflag:s4], $0x0  }
0x19: {  	s7 =	sld [smem:$0x3F9F]  }
0x1a: {  	s8 =	sadd.s32 $0xFFFFE003, lr  }
0x1b: {  	s9 =	sadd.s32 $0xFFFFFEF7, lr;
	s5 =	simm.s32 $0xFFFFFFFF;
	p2 =	slt.u32 s8, $0xFFFFF086  }
0x1c: {  	p1 =	slt.u32 s9, $0xF7A;
	s5 =	simm.s32 @!p2 $0x0  }
0x1d: {  	s5 =	simm.s32 @p1 $0x1;
	p0 =	seq.s32 s7, s2  }
0x1e: {  	s7 =	smul.u32 @!p0 $0xF7A, s2;
	p2 =	seq.s32 @!p0 s5, $0x0  }
0x1f: {  	s9 =	smul.u32 $0xF7A, s1;
	s8 =	simm.s32 @!p0 $0x1BF5;
	p2 =	por !p2, p0  }
0x20: {  	[sflag:s8] =	ssyncset.s32 @!p0 $0xFFFFF086;
	s6 =	sadd.s32 @!p0 s3, s7;
	s7 =	simm.s32 @!p0 $0x108  }
0x21: {  	s3 =	sadd.s32 s3, s9;
	s6 =	sadd.s32 @!p0 $0x88, s6;
	s7 =	simm.s32 @p2 $0x1082  }
0x22: {  	[simem:s7], [sflag:s8] =	dma.local @!p0 [hbm:s6], $0xF7A  }
0x23: {  	s9 =	sor.u32 $0xD0000000, s2;
	s6 =	simm.s32 $0x108;
	_ =	swait.ge @!p0 [sflag:s8], $0x0  }
0x24: {  	s3 =	sadd.s32 $0x88, s3;
	s6 =	simm.s32 @!p1 $0x1082;
	[sflag:s4] =	ssyncset.s32 $0xFFFFF086  }
0x25: {  	[simem:s6], [sflag:s4] =	dma.local [hbm:s3], $0xF7A  }
0x26: {  	[smem:$0x3F9F] =	sst s1;
	(tag) =	ssettag s2;
	_ =	strace s9  }
0x27: {  	s1 =	sld [smem:$0x3FAF]  }
0x28: {  	s2 =	sld [smem:$0x3FB0]  }
0x29: {  	s4 =	sld [smem:$0x3FB2]  }
0x2a: {  	p0 =	seq.s32 s5, $0x0;
	s5 =	sld [smem:$0x3FB3]  }
0x2b: {  	s6 =	sld [smem:$0x3FB4]  }
0x2c: {  	s7 =	sld [smem:$0x3FB5]  }
0x2d: {  	s3 =	simm.s32 $0x108;
	s8 =	sld [smem:$0x3FB6]  }
0x2e: {  	s3 =	simm.s32 @!p0 $0x1082;
	s9 =	sld [smem:$0x3FB7]  }
0x2f: {  	lr =	sadd.s32 s0, s3;
	s0 =	sld [smem:$0x3FAE]  }
0x30: {  	s3 =	sld [smem:$0x3FB1]  }
0x31: {  	[smem:$0x3FBA] =	sst s10  }
0x32: {  	s10 =	sld [smem:$0x3FB8];
	_ =	sdelay $0x3  }
0x33: {  	p0 =	seq.s32 s10, $0x1;
	s10 =	sld [smem:$0x3FBA];
	_ =	sdelay $0x3  }
0x34: {  	[smem:$0x3FBA] =	sst s10  }
0x35: {  	s10 =	sld [smem:$0x3FB9];
	_ =	sdelay $0x3  }
0x36: {  	p1 =	seq.s32 s10, $0x1;
	s10 =	sld [smem:$0x3FBA];
	_ =	sdelay $0x3  }
0x37: {  	[smem:$0x3FBA] =	sst s10  }
0x38: {  	s10 =	sld [smem:$0x3FBB]  }
0x39: {  	_ = 	snop;
	(pc) =	sbr.ind lr, $3  }
0x3a: {  	_ = 	snop  }
0x3b: {  	_ = 	snop  }
0x3c: {  	p2 =	seq.s32 s10, $0x1;
	s10 =	sld [smem:$0x3FBA]  }
0x3d: {  	_ =	shalt  }
0x3e: {  	_ =	shalt  }
0x3f: {  	_ =	shalt  }
0x40: {  	_ =	shalt  }
0x41: {  	_ =	shalt  }
0x42: {  	_ =	shalt  }
0x43: {  	_ =	shalt  }
0x44: {  	_ =	shalt  }
0x45: {  	_ =	shalt  }
0x46: {  	_ =	shalt  }
0x47: {  	_ =	shalt  }
0x48: {  	_ =	shalt  }
0x49: {  	_ =	shalt  }
0x4a: {  	_ =	shalt  }
0x4b: {  	_ =	shalt  }
0x4c: {  	_ =	shalt  }
0x4d: {  	_ =	shalt  }
0x4e: {  	_ =	shalt  }
0x4f: {  	_ =	shalt  }
0x50: {  	_ =	shalt  }
0x51: {  	_ =	shalt  }
0x52: {  	_ =	shalt  }
0x53: {  	_ =	shalt  }
0x54: {  	_ =	shalt  }
0x55: {  	_ =	shalt  }
0x56: {  	_ =	shalt  }
0x57: {  	_ =	shalt  }
0x58: {  	_ =	shalt  }
0x59: {  	_ =	shalt  }
0x5a: {  	_ =	shalt  }
0x5b: {  	_ =	shalt  }
0x5c: {  	_ =	shalt  }
0x5d: {  	_ =	shalt  }
0x5e: {  	_ =	shalt  }
0x5f: {  	_ =	shalt  }
0x60: {  	_ =	shalt  }
0x61: {  	_ =	shalt  }
0x62: {  	_ =	shalt  }
0x63: {  	_ =	shalt  }
0x64: {  	_ =	shalt  }
0x65: {  	_ =	shalt  }
0x66: {  	_ =	shalt  }
0x67: {  	_ =	shalt  }
0x68: {  	_ =	shalt  }
0x69: {  	_ =	shalt  }
0x6a: {  	_ =	shalt  }
0x6b: {  	_ =	shalt  }
0x6c: {  	_ =	shalt  }
0x6d: {  	_ =	shalt  }
0x6e: {  	_ =	shalt  }
0x6f: {  	_ =	shalt  }
0x70: {  	_ =	shalt  }
0x71: {  	_ =	shalt  }
0x72: {  	_ =	shalt  }
0x73: {  	_ =	shalt  }
0x74: {  	_ =	shalt  }
0x75: {  	_ =	shalt  }
0x76: {  	_ =	shalt  }
0x77: {  	_ =	shalt  }
0x78: {  	_ =	shalt  }
0x79: {  	_ =	shalt  }
0x7a: {  	_ =	shalt  }
0x7b: {  	_ =	shalt  }
0x7c: {  	_ =	shalt  }
0x7d: {  	_ =	shalt  }
0x7e: {  	_ =	shalt  }
0x7f: {  	_ =	shalt  }
0x80: {  	_ =	shalt  }
0x81: {  	_ =	shalt  }
0x82: {  	_ =	shalt  }
0x83: {  	_ =	shalt  }
0x84: {  	_ =	shalt  }
0x85: {  	_ =	shalt  }
0x86: {  	_ =	shalt  }
0x87: {  	_ =	shalt  }
.Lfunc_end0:
.L_simem_size_0:
called_computation_lowered:
.L_overlay_start_0:
0x88: {  	s2 =	sld [smem:$0x3FD9]  }
0x89: {  	s3 =	sld [smem:$0x3FFE];
	_ =	sdelay $0x1  }
0x8a: {  	s1 =	srdreg.scid  }
0x8b: {  	s0 =	sand.u32 $0x1, s1  }
0x8c: {  	s16 =	sshll.u32 s0, $0xA;
	s2 =	sadd.s32 s3, s2  }
0x8d: {  	s2 =	sadd.s32 s2, s16  }
0x8e: {  	[smem:$0x3FC6] =	sst s2  }
0x8f: {  	_ = 	snop  }
0x90: {  	(tm) =	ssettm $0x1  }
0x91: {  	s17 =	sld [smem:$0x3FFB];
	_ =	sdelay $0x3  }
0x92: {  	_ =	strace s17  }
0x93: {  	s2 =	sld [smem:$0x3FFC];
	_ =	sdelay $0x3  }
0x94: {  	_ =	strace s2  }
0x95: {  	s2 =	sld [smem:$0x3FFD];
	_ =	sdelay $0x3  }
0x96: {  	_ =	strace s2  }
0x97: {  	_ =	strace $0x8FFFFFFF  }
0x98: {  	s18 =	sld [smem:$0x3FDB];
	_ =	sdelay $0x1  }
0x99: {  	s19 =	simm.s32 $_scs_section_size  }
0x9a: {  	s4 =	simm.s32 $_size__tile_overlayer_lowered;
	s5 =	simm.s32 $_tile_overlayer_lowered  }
0x9b: {  	s22 =	simm.s32 $0x1BFF;
	s21 =	sshll.u32 s5, $0x1;
	s2 =	sadd.s32 s19, s18  }
0x9c: {  	s6 =	simm.s32 $0x0;
	s20 =	sshll.u32 s4, $0x1;
	s4 =	sadd.s32 s21, s2  }
0x9d: {  	[timem:s6], [sflag:s22] =	dma.local [hbm:s4], s20  }
0x9e: {  	_ =	swait.ge [sflag:s22], s20  }
0x9f: {  	s3 =	ssub.s32 $0x0, s20;
	[sflag:s22] =	ssyncset.done $0x0  }
0xa0: {  	[sflag:s22] =	ssyncadd.s32 s3;
	_ =	sdelay $0x1  }
0xa1: {  	s23 =	simm.s32 $0x1B8B  }
0xa2: {  	_ =	swait.ge [sflag:s23], $0x1  }
0xa3: {  	[sflag:s23] =	ssyncset.done $0x0  }
0xa4: {  	s25 =	simm.s32 $0x1B8E;
	s24 =	sld [smem:$0x3FFE];
	[sflag:s23] =	ssyncadd.s32 $0xFFFFFFFF  }
0xa5: {  	s26 =	simm.s32 $execute0_lowered;
	[smem:$0x3FD2] =	sst s25  }
0xa6: {  	s4 =	sshll.u32 s26, $0x1;
	_ =	strace $0x80000046;
	[dreg:$0x1] =	wrdreg $0xFFFFFFFF  }
0xa7: {  	s28 =	simm.s32 $_size_execute0_lowered;
	s2 =	sadd.s32 s2, s4;
	[dreg:$0x0] =	wrdreg $0x0  }
0xa8: {  	s4 =	sshll.u32 s28, $0x1;
	[dreg:$0x2] =	wrdreg s2  }
0xa9: {  	[dreg:$0x3] =	wrdreg s4  }
0xaa: {  	[dreg:$0x4] =	wrdreg $0xC0  }
0xab: {  	_ =	task [dreg:s6], $0x5FFFF  }
0xac: {  	[dreg:$0x1] =	wrdreg $0xFFFFFFFF  }
0xad: {  	[dreg:$0x0] =	wrdreg $0x60  }
0xae: {  	[dreg:$0x2] =	wrdreg s24  }
0xaf: {  	[dreg:$0x3] =	wrdreg $0x9  }
0xb0: {  	_ =	task.clear_ibuf [dreg:s6], $0x4FFFF;
	_ =	strace $0x90000046  }
0xb1: {  	s29 =	simm.s32 $0x9;
	_ =	strace $0x80000048  }
0xb2: {  	_ =	swait.ge [sflag:s29], $0x1  }
0xb3: {  	[sflag:s29] =	ssyncadd.s32 $0xFFFFFFFF  }
0xb4: {  	_ =	strace $0x90000048  }
0xb5: {  	_ =	sfence  }
0xb6: {  	s30 =	sld [smem:$0x0];
	_ =	sdelay $0x2  }
0xb7: {  	s31 =	sshll.u32 s1, $0xD;
	s1 =	sshrl.u32 s1, $0x2  }
0xb8: {  	s3 =	sand.u32 $0x4000, s31;
	s1 =	sadd.s32 s1, s30  }
0xb9: {  	s0 =	sor.u32 s3, s0;
	s1 =	sshll.u32 s1, $0x11  }
0xba: {  	s0 =	sor.u32 s1, s0  }
0xbb: {  	s0 =	sadd.s32 $0x8F2B, s0  }
0xbc: {  	[sflag:s0] =	ssyncadd.remote.s32 $0x1  }
0xbd: {  	_ =	sfence.sel $0xFFFF  }
0xbe: {  	[dreg:$0x0] =	wrdreg $0xFFFFFFFF;
	(pc) =	sbr.abs _section_cstart, $3  }
0xbf: {  	[dreg:$0x1] =	wrdreg $0xFFFFFFFF  }
0xc0: {  	_ =	task.clear_ibuf [dreg:s6], $0x2FFFF;
	_ =	strace $0x9FFFFFFF  }
0xc1: {  	(tm) =	ssettm $0x7FFFFFFF  }
tec
execute0_lowered:
.L_overlay_start_1:
0x0: {  	(tag) =	ssettag $0x1  }
0x1: {  	s1 =	srdreg.scid  }
0x2: {  	s1 =	sand.u32 $0x1, s1  }
0x3: {  	p0 =	seq.s32 s1, $0x1  }
.Ltmp0:
0x4: {  	_ = 	snop;
	(pc) =	sbr.rel @p0 .LBB2_2-.Ltmp0, $4  }
0x5: {  	_ = 	snop  }
0x6: {  	s3 =	rddreg [dreg:$0x0];
	s2 =	simm.s32 $0x0  }
0x7: {  	[smem:$0x7FF] =	sst s2  }
0x8: {  	s0 =	rddreg [dreg:$0x1];
	_ =	strace $0x80000047;
	s1 =	stileid.u32  }
0x9: {  	s4 =	smul.u32 $0x180, s1  }
0xa: {  	s5 =	sadd.s32 $0xE00, s3  }
0xb: {  	s18 =	simm.s32 $0x2;
	s4 =	sadd.s32 s5, s4  }
0xc: {  	[tilespmem:s2], [sflag:$0x2] =	stream.linear.gather [hbm4b:s4+s2], $0xA00, $0x38;
	[tilespmem:$0x1180] =	vst v63  }
0xd: {  	_ =	swait.ge [sflag:s18], $0xA00  }
0xe: {  	[sflag:s18] =	ssyncset.done $0x0  }
0xf: {  	[sflag:s18] =	ssyncadd.s32 $0xFFFFF600  }
0x10: {  	v1 =	vld [tilespmem:$0x0]  }
0x11: {  	v3 =	vld [tilespmem:$0x80]  }
0x12: {  	v5 =	vld [tilespmem:$0x100]  }
0x13: {  	v42 =	vld [tilespmem:$0x180]  }
0x14: {  	s19 =	sshll.u32 s1, $0x4;
	v12 =	vld [tilespmem:$0x200]  }
0x15: {  	v0 =	vmov s19;
	v50 =	vld [tilespmem:$0x280]  }
0x16: {  	v0 =	vmul.u32 $0x2710, v0;
	_ =	sdelay $0x1  }
0x17: {  	v7 =	vlaneseq.u32;
	v0 =	vbroadcast v0, $0x0;
	vm0 =	vlt.s32 v1, $0x1  }
0x18: {  	vm9 =	vlt.s32 v3, $0x1;
	vm11 =	vlt.s32 v5, $0x1;
	vm15 =	vlt.s32 v42, $0x1  }
0x19: {  	vm4 =	vlt.s32 v12, $0x1;
	vm8 =	vlt.s32 v50, $0x1;
	v2 =	vnsel vm0, $0x1, v1  }
0x1a: {  	v6 =	vnsel vm9, $0x1, v3;
	v39 =	vnsel vm11, $0x1, v5;
	v49 =	vnsel vm15, $0x1, v42  }
0x1b: {  	v14 =	vnsel vm4, $0x1, v12;
	v55 =	vnsel vm8, $0x1, v50;
	v2 =	vsub.s32 $0x1, v2  }
0x1c: {  	v6 =	vsub.s32 $0x1, v6;
	v4 =	vmul.u32 $0x270F, v2;
	vm10 =	vgt.s32 v2, $0x0  }
0x1d: {  	v51 =	vsub.s32 $0x1, v14;
	v56 =	vsub.s32 $0x1, v55;
	v2 =	vnsel vm10, $0x0, v2  }
0x1e: {  	v4 =	vadd.s32 v1, v4;
	vm0 =	vgt.s32 v2, v6;
	v8 =	vsub.s32 $0x1, v2  }
0x1f: {  	v58 =	vld [tilespmem:$0x300];
	v1 =	vmul.u32 $0x2710, v7;
	v9 =	vsel vm0, v2, v6;
	v38 =	vmul.u32 v6, v8  }
0x20: {  	v40 =	vadd.s32 v4, v0;
	v6 =	vsub.s32 $0x1, v39;
	vm12 =	vlt.s32 v4, $0x1  }
0x21: {  	v41 =	vsub.s32 $0x1, v9;
	v10 =	vadd.s32 $0x271000, v1;
	v4 =	vnsel vm12, $0x1, v4  }
0x22: {  	v45 =	vadd.s32 $0x4E2000, v1;
	vm14 =	vgt.s32 v9, v6;
	v48 =	vadd.s32 $0x753000, v1  }
0x23: {  	v16 =	vadd.s32 $0x9C4000, v1;
	v62 =	vadd.s32 $0xC35000, v1;
	v19 =	vadd.s32 $0xEA6000, v1  }
0x24: {  	v24 =	vld [tilespmem:$0x400];
	vm12 =	vlt.s32 v58, $0x1;
	v33 =	vadd.s32 $0x1388000, v1;
	v55 =	vadd.s32 $0x1FBD000, v1  }
0x25: {  	v11 =	vmul.u32 $0x270F, v38;
	v8 =	vmul.u32 v6, v41;
	v2 =	vadd.s32 v10, v40  }
0x26: {  	v9 =	vsel vm14, v9, v6;
	v10 =	vsub.s32 $0x1, v49;
	v23 =	vnsel vm12, $0x1, v58  }
0x27: {  	v13 =	vsub.s32 $0x1, v9;
	vm5 =	vgt.s32 v9, v10;
	v43 =	vadd.s32 v3, v11  }
0x28: {  	v63 =	vld [tilespmem:$0x380];
	v8 =	vmul.u32 $0x270F, v8;
	v3 =	vcvt.s32.f32 v4;
	v13 =	vmul.u32 v10, v13  }
0x29: {  	v9 =	vsel vm5, v9, v10;
	vm5 =	vlt.s32 v24, $0x1;
	v44 =	vadd.s32 v43, v0  }
0x2a: {  	vm13 =	vlt.s32 v43, $0x1;
	vm7 =	vgt.s32 v9, v51;
	v52 =	vsub.s32 $0x1, v9  }
0x2b: {  	v28 =	vnsel vm5, $0x1, v24;
	v4 =	vadd.s32 v45, v44;
	v8 =	vadd.s32 v5, v8  }
0x2c: {  	v46 =	vnsel vm13, $0x1, v43;
	v13 =	vmul.u32 $0x270F, v13;
	v15 =	vsel vm7, v9, v51  }
0x2d: {  	v54 =	vmul.u32 v51, v52;
	vm13 =	vlt.s32 v63, $0x1;
	v43 =	vadd.s32 $0x1ADB000, v1  }
0x2e: {  	v47 =	vadd.s32 v8, v0;
	v6 =	vcvt.s32.f32 v46;
	vm6 =	vlt.s32 v8, $0x1  }
0x2f: {  	v57 =	vsub.s32 $0x1, v15;
	vm11 =	vgt.s32 v15, v56;
	v20 =	vnsel vm13, $0x1, v63  }
0x30: {  	v46 =	vadd.s32 $0x1D4C000, v1;
	v5 =	vadd.s32 v48, v47;
	v8 =	vnsel vm6, $0x1, v8  }
0x31: {  	v53 =	vadd.s32 v42, v13;
	v17 =	vmul.u32 $0x270F, v54;
	v18 =	vmul.u32 v56, v57  }
0x32: {  	v14 =	vsel vm11, v15, v56;
	v15 =	vsub.s32 $0x1, v23;
	v26 =	vsub.s32 $0x1, v20  }
0x33: {  	v13 =	vadd.s32 v53, v0;
	v10 =	vcvt.s32.f32 v8;
	vm9 =	vlt.s32 v53, $0x1  }
0x34: {  	v30 =	vld [tilespmem:$0x480];
	v25 =	vsub.s32 $0x1, v14;
	vm14 =	vgt.s32 v14, v15;
	v7 =	vadd.s32 v16, v13  }
0x35: {  	v23 =	vld [tilespmem:$0x500];
	v59 =	vnsel vm9, $0x1, v53;
	v12 =	vadd.s32 v12, v17;
	v60 =	vmul.u32 $0x270F, v18  }
0x36: {  	v42 =	vld [tilespmem:$0x600];
	v14 =	vsel vm14, v14, v15;
	v9 =	vcvt.s32.f32 v59;
	v61 =	vadd.s32 v12, v0  }
0x37: {  	vm10 =	vlt.s32 v12, $0x1;
	vm4 =	vgt.s32 v14, v26;
	v27 =	vsub.s32 $0x1, v14  }
0x38: {  	v8 =	vadd.s32 v62, v61;
	v16 =	vadd.s32 v50, v60;
	v21 =	vnsel vm10, $0x1, v12  }
0x39: {  	v14 =	vsel vm4, v14, v26;
	vm10 =	vlt.s32 v30, $0x1;
	v22 =	vadd.s32 v16, v0  }
0x3a: {  	v53 =	vld [tilespmem:$0x780];
	v12 =	vcvt.s32.f32 v21;
	vm15 =	vlt.s32 v16, $0x1;
	v21 =	vsub.s32 $0x1, v14  }
0x3b: {  	v35 =	vnsel vm10, $0x1, v30;
	vm11 =	vlt.s32 v23, $0x1;
	vm4 =	vlt.s32 v42, $0x1  }
0x3c: {  	v11 =	vadd.s32 v19, v22;
	v19 =	vmul.u32 v15, v25;
	v15 =	vmul.u32 v26, v27  }
0x3d: {  	v16 =	vnsel vm15, $0x1, v16;
	v22 =	vadd.s32 $0x1117000, v1;
	v26 =	vnsel vm11, $0x1, v23  }
0x3e: {  	v27 =	vadd.s32 $0x15F9000, v1;
	v19 =	vmul.u32 $0x270F, v19;
	v15 =	vmul.u32 $0x270F, v15  }
0x3f: {  	v16 =	vcvt.s32.f32 v16;
	v36 =	vsub.s32 $0x1, v26;
	vm11 =	vlt.s32 v53, $0x1  }
0x40: {  	v44 =	vld [tilespmem:$0x680];
	v13 =	vadd.s32 v58, v19;
	v19 =	vsub.s32 $0x1, v28;
	v15 =	vadd.s32 v63, v15  }
0x41: {  	v63 =	vadd.s32 $0x222E000, v1;
	v29 =	vadd.s32 v13, v0;
	v21 =	vmul.u32 v19, v21  }
0x42: {  	vm6 =	vlt.s32 v13, $0x1;
	v32 =	vadd.s32 v15, v0;
	vm7 =	vlt.s32 v15, $0x1  }
0x43: {  	vm8 =	vgt.s32 v14, v19;
	v20 =	vadd.s32 v22, v29;
	v13 =	vnsel vm6, $0x1, v13  }
0x44: {  	v15 =	vnsel vm7, $0x1, v15;
	v14 =	vsel vm8, v14, v19;
	v18 =	vadd.s32 v33, v32  }
0x45: {  	v29 =	vadd.s32 $0x186A000, v1;
	vm6 =	vlt.s32 v44, $0x1;
	v32 =	vadd.s32 $0x249F000, v1  }
0x46: {  	v31 =	vmul.u32 $0x270F, v21;
	v13 =	vcvt.s32.f32 v13;
	v15 =	vcvt.s32.f32 v15  }
0x47: {  	v48 =	vld [tilespmem:$0x700];
	v21 =	vsub.s32 $0x1, v35;
	v25 =	vsub.s32 $0x1, v14;
	v49 =	vnsel vm6, $0x1, v44  }
0x48: {  	v25 =	vmul.u32 v21, v25;
	vm12 =	vgt.s32 v14, v21;
	v17 =	vadd.s32 v24, v31  }
0x49: {  	[tilespmem:$0xC00] =	vst v2;
	v2 =	vsub.s32 $0x1, v49;
	v14 =	vsel vm12, v14, v21;
	vm9 =	vlt.s32 v17, $0x1  }
0x4a: {  	v33 =	vld [tilespmem:$0x880];
	v25 =	vmul.u32 $0x270F, v25;
	v37 =	vsub.s32 $0x1, v14;
	vm0 =	vgt.s32 v14, v36  }
0x4b: {  	v34 =	vnsel vm9, $0x1, v17;
	v17 =	vadd.s32 v17, v0;
	v26 =	vmul.u32 v36, v37  }
0x4c: {  	v24 =	vld [tilespmem:$0x580];
	v14 =	vsel vm0, v14, v36;
	vm9 =	vlt.s32 v48, $0x1;
	v37 =	vadd.s32 $0x2710000, v1  }
0x4d: {  	v17 =	vadd.s32 v27, v17;
	v38 =	vadd.s32 v30, v25;
	v41 =	vsub.s32 $0x1, v14  }
0x4e: {  	v62 =	vld [tilespmem:$0x800];
	v30 =	vnsel vm4, $0x1, v42;
	v19 =	vcvt.s32.f32 v34;
	v57 =	vnsel vm9, $0x1, v48  }
0x4f: {  	vm4 =	vlt.s32 v33, $0x1;
	v40 =	vmul.u32 $0x270F, v26;
	v28 =	vadd.s32 v38, v0  }
0x50: {  	vm14 =	vlt.s32 v38, $0x1;
	v30 =	vsub.s32 $0x1, v30;
	v58 =	vsub.s32 $0x1, v57  }
0x51: {  	vm13 =	vlt.s32 v24, $0x1;
	v28 =	vadd.s32 v29, v28;
	v21 =	vnsel vm14, $0x1, v38  }
0x52: {  	v38 =	vnsel vm4, $0x1, v33;
	v39 =	vnsel vm13, $0x1, v24;
	v23 =	vadd.s32 v23, v40  }
0x53: {  	v21 =	vcvt.s32.f32 v21;
	vm13 =	vlt.s32 v62, $0x1;
	v40 =	vsub.s32 $0x1, v38  }
0x54: {  	v22 =	vsub.s32 $0x1, v39;
	v25 =	vadd.s32 v23, v0;
	vm15 =	vlt.s32 v23, $0x1  }
0x55: {  	v34 =	vnsel vm13, $0x1, v62;
	v26 =	vmul.u32 v22, v41;
	v25 =	vadd.s32 v43, v25  }
0x56: {  	[tilespmem:$0xDE0] =	vst v13;
	v23 =	vnsel vm15, $0x1, v23;
	vm5 =	vgt.s32 v14, v22;
	v13 =	vsub.s32 $0x1, v34  }
0x57: {  	[tilespmem:$0xD80] =	vst v3;
	v43 =	vadd.s32 $0x2981000, v1;
	v14 =	vsel vm5, v14, v22;
	v26 =	vmul.u32 $0x270F, v26  }
0x58: {  	[tilespmem:$0xC10] =	vst v4;
	v39 =	vld [tilespmem:$0x900];
	v23 =	vcvt.s32.f32 v23;
	v47 =	vsub.s32 $0x1, v14;
	vm0 =	vgt.s32 v14, v30  }
0x59: {  	[tilespmem:$0xD90] =	vst v6;
	v29 =	vmul.u32 v30, v47;
	v14 =	vsel vm0, v14, v30;
	v24 =	vadd.s32 v24, v26  }
0x5a: {  	[tilespmem:$0xC20] =	vst v5;
	v51 =	vsub.s32 $0x1, v14;
	vm8 =	vgt.s32 v14, v2;
	v45 =	vadd.s32 v24, v0  }
0x5b: {  	[tilespmem:$0xDA0] =	vst v10;
	vm7 =	vlt.s32 v24, $0x1;
	v29 =	vmul.u32 $0x270F, v29;
	v22 =	vadd.s32 v46, v45  }
0x5c: {  	[tilespmem:$0xC30] =	vst v7;
	v50 =	vnsel vm7, $0x1, v24;
	v24 =	vmul.u32 v2, v51;
	v2 =	vsel vm8, v14, v2  }
0x5d: {  	[tilespmem:$0xDB0] =	vst v9;
	vm8 =	vlt.s32 v39, $0x1;
	v52 =	vadd.s32 v42, v29;
	v59 =	vsub.s32 $0x1, v2  }
0x5e: {  	[tilespmem:$0xC40] =	vst v8;
	vm10 =	vgt.s32 v2, v58;
	v3 =	vcvt.s32.f32 v50;
	v54 =	vadd.s32 v52, v0  }
0x5f: {  	[tilespmem:$0xDC0] =	vst v12;
	v56 =	vmul.u32 $0x270F, v24;
	v10 =	vmul.u32 v58, v59;
	v2 =	vsel vm10, v2, v58  }
0x60: {  	[tilespmem:$0xC50] =	vst v11;
	v24 =	vnsel vm11, $0x1, v53;
	vm14 =	vlt.s32 v52, $0x1;
	v5 =	vadd.s32 v55, v54  }
0x61: {  	[tilespmem:$0xDD0] =	vst v16;
	v26 =	vsub.s32 $0x1, v24;
	v29 =	vsub.s32 $0x1, v2;
	v4 =	vnsel vm14, $0x1, v52  }
0x62: {  	[tilespmem:$0xC60] =	vst v20;
	v60 =	vadd.s32 v44, v56;
	v10 =	vmul.u32 $0x270F, v10;
	v30 =	vmul.u32 v26, v29  }
0x63: {  	[tilespmem:$0xC70] =	vst v18;
	vm12 =	vgt.s32 v2, v26;
	v4 =	vcvt.s32.f32 v4;
	v56 =	vadd.s32 $0x2E63000, v1  }
0x64: {  	[tilespmem:$0xDF0] =	vst v15;
	v61 =	vadd.s32 v60, v0;
	v2 =	vsel vm12, v2, v26;
	vm5 =	vlt.s32 v60, $0x1  }
0x65: {  	[tilespmem:$0xC80] =	vst v17;
	v8 =	vadd.s32 v63, v61;
	v10 =	vadd.s32 v48, v10;
	v11 =	vmul.u32 $0x270F, v30  }
0x66: {  	[tilespmem:$0xE00] =	vst v19;
	v35 =	vsub.s32 $0x1, v2;
	vm15 =	vgt.s32 v2, v13;
	v7 =	vnsel vm5, $0x1, v60  }
0x67: {  	[tilespmem:$0xC90] =	vst v28;
	v48 =	vnsel vm8, $0x1, v39;
	v31 =	vadd.s32 v10, v0;
	v14 =	vmul.u32 v13, v35  }
0x68: {  	[tilespmem:$0xE10] =	vst v21;
	v44 =	vld [tilespmem:$0x980];
	v2 =	vsel vm15, v2, v13;
	vm7 =	vlt.s32 v10, $0x1;
	v45 =	vcvt.s32.f32 v7  }
0x69: {  	[tilespmem:$0xCA0] =	vst v25;
	v9 =	vsub.s32 $0x1, v48;
	v12 =	vadd.s32 v32, v31;
	v11 =	vadd.s32 v53, v11  }
0x6a: {  	[tilespmem:$0xE20] =	vst v23;
	v41 =	vsub.s32 $0x1, v2;
	vm6 =	vgt.s32 v2, v40;
	v46 =	vnsel vm7, $0x1, v10  }
0x6b: {  	[tilespmem:$0xCB0] =	vst v22;
	v53 =	vadd.s32 $0x2BF2000, v1;
	v36 =	vadd.s32 v11, v0;
	v14 =	vmul.u32 $0x270F, v14  }
0x6c: {  	[tilespmem:$0xE30] =	vst v3;
	v16 =	vmul.u32 v40, v41;
	v2 =	vsel vm6, v2, v40;
	vm9 =	vlt.s32 v11, $0x1  }
0x6d: {  	[tilespmem:$0xCC0] =	vst v5;
	v7 =	vcvt.s32.f32 v46;
	vm12 =	vlt.s32 v44, $0x1;
	v13 =	vadd.s32 v37, v36  }
0x6e: {  	[tilespmem:$0xE40] =	vst v4;
	v49 =	vnsel vm9, $0x1, v11;
	vm11 =	vgt.s32 v2, v9;
	v50 =	vsub.s32 $0x1, v2  }
0x6f: {  	[tilespmem:$0xCD0] =	vst v8;
	v51 =	vnsel vm12, $0x1, v44;
	v6 =	vadd.s32 v62, v14;
	v16 =	vmul.u32 $0x270F, v16  }
0x70: {  	[tilespmem:$0xE50] =	vst v45;
	v2 =	vsel vm11, v2, v9;
	v3 =	vmul.u32 v9, v50;
	v4 =	vcvt.s32.f32 v49  }
0x71: {  	[tilespmem:$0xCE0] =	vst v12;
	v8 =	vsub.s32 $0x1, v51;
	v42 =	vadd.s32 v6, v0;
	vm10 =	vlt.s32 v6, $0x1  }
0x72: {  	[tilespmem:$0xE60] =	vst v7;
	v2 =	vsub.s32 $0x1, v2;
	v14 =	vadd.s32 v43, v42;
	v47 =	vadd.s32 v33, v16  }
0x73: {  	[tilespmem:$0xCF0] =	vst v13;
	v6 =	vnsel vm10, $0x1, v6;
	v2 =	vmul.u32 v8, v2;
	v3 =	vmul.u32 $0x270F, v3  }
0x74: {  	[tilespmem:$0xE70] =	vst v4;
	v52 =	vadd.s32 v47, v0;
	v6 =	vcvt.s32.f32 v6;
	vm13 =	vlt.s32 v47, $0x1  }
0x75: {  	[tilespmem:$0xD00] =	vst v14;
	v5 =	vnsel vm13, $0x1, v47;
	v3 =	vadd.s32 v39, v3;
	v2 =	vmul.u32 $0x270F, v2  }
0x76: {  	v54 =	vadd.s32 v53, v52;
	[tilespmem:$0xE80] =	vst v6;
	v5 =	vcvt.s32.f32 v5;
	vm14 =	vlt.s32 v3, $0x1  }
0x77: {  	v55 =	vadd.s32 v3, v0;
	[tilespmem:$0xD10] =	vst v54;
	v3 =	vnsel vm14, $0x1, v3;
	v2 =	vadd.s32 v44, v2  }
0x78: {  	v4 =	vadd.s32 v56, v55;
	[tilespmem:$0xE90] =	vst v5;
	v3 =	vcvt.s32.f32 v3;
	vm15 =	vlt.s32 v2, $0x1  }
0x79: {  	v1 =	vadd.s32 $0x30D4000, v1;
	[tilespmem:$0xD20] =	vst v4;
	v0 =	vadd.s32 v2, v0;
	v2 =	vnsel vm15, $0x1, v2  }
0x7a: {  	v0 =	vadd.s32 v1, v0;
	[tilespmem:$0xEA0] =	vst v3;
	v57 =	vcvt.s32.f32 v2  }
0x7b: {  	s6 =	sadd.s32 $0x6CAE00, s3;
	[tilespmem:$0xD30] =	vst v0  }
0x7c: {  	s7 =	simm.s32 $0x50;
	s8 =	simm.s32 $0xC00;
	s9 =	simm.s32 $0xF00;
	[tilespmem:$0xEB0] =	vst v57  }
0x7d: {  	[tilespmem:s9], [sflag:$0x1] =	stream.indirect.gather [hbm4b:s6+s7], $0x1, s8, s7, $0xb8;
	[tilespmem:$0x1180] =	vst v63  }
0x7e: {  	s20 =	simm.s32 $0xC50;
	s21 =	simm.s32 $0xF50  }
0x7f: {  	[tilespmem:s21], [sflag:$0x1] =	stream.indirect.gather [hbm4b:s6+s7], $0x1, s20, s7, $0xb8;
	[tilespmem:$0x1180] =	vst v63  }
0x80: {  	s22 =	simm.s32 $0xCA0;
	s23 =	simm.s32 $0xFA0  }
0x81: {  	[tilespmem:s23], [sflag:$0x1] =	stream.indirect.gather [hbm4b:s6+s7], $0x1, s22, s7, $0xb8;
	[tilespmem:$0x1180] =	vst v63  }
0x82: {  	s24 =	simm.s32 $0xCF0;
	s25 =	simm.s32 $0xFF0;
	s26 =	simm.s32 $0x1  }
0x83: {  	[tilespmem:s25], [sflag:$0x1] =	stream.indirect.gather [hbm4b:s6+s7], $0x1, s24, s7, $0xb8;
	[tilespmem:$0x1180] =	vst v63  }
0x84: {  	_ =	swait.ge [sflag:s26], $0x50  }
0x85: {  	[sflag:s26] =	ssyncset.done $0x0  }
0x86: {  	[sflag:s26] =	ssyncadd.s32 $0xFFFFFFB0  }
0x87: {  	_ =	swait.ge [sflag:s26], $0x50  }
0x88: {  	[sflag:s26] =	ssyncset.done $0x0  }
0x89: {  	[sflag:s26] =	ssyncadd.s32 $0xFFFFFFB0  }
0x8a: {  	_ =	swait.ge [sflag:s26], $0x50  }
0x8b: {  	[sflag:s26] =	ssyncset.done $0x0  }
0x8c: {  	[sflag:s26] =	ssyncadd.s32 $0xFFFFFFB0  }
0x8d: {  	_ =	swait.ge [sflag:s26], $0x50  }
0x8e: {  	[sflag:s26] =	ssyncset.done $0x0  }
0x8f: {  	[sflag:s26] =	ssyncadd.s32 $0xFFFFFFB0  }
0x90: {  	v58 =	vld [tilespmem:$0xF00]  }
0x91: {  	v59 =	vld [tilespmem:$0xD80]  }
0x92: {  	v60 =	vld [tilespmem:$0xF10]  }
0x93: {  	v61 =	vld [tilespmem:$0xD90]  }
0x94: {  	v62 =	vld [tilespmem:$0xF20]  }
0x95: {  	v63 =	vld [tilespmem:$0xDA0]  }
0x96: {  	v12 =	vld [tilespmem:$0xF30]  }
0x97: {  	v13 =	vld [tilespmem:$0xDB0]  }
0x98: {  	v14 =	vld [tilespmem:$0xF40];
	v0 =	vmul.f32 v59, v58;
	v2 =	vmul.f32 v61, v60  }
0x99: {  	v15 =	vld [tilespmem:$0xDC0];
	v1 =	vadd.f32 v61, v59  }
0x9a: {  	v17 =	vld [tilespmem:$0xF50];
	v16 =	vmul.f32 v63, v62;
	v0 =	vadd.f32 v2, v0  }
0x9b: {  	v18 =	vld [tilespmem:$0xDD0];
	v1 =	vadd.f32 v63, v1  }
0x9c: {  	v20 =	vld [tilespmem:$0xF60];
	v19 =	vmul.f32 v13, v12;
	v0 =	vadd.f32 v16, v0  }
0x9d: {  	v21 =	vld [tilespmem:$0xDE0];
	v1 =	vadd.f32 v13, v1  }
0x9e: {  	v23 =	vld [tilespmem:$0xF70];
	v22 =	vmul.f32 v15, v14;
	v0 =	vadd.f32 v19, v0  }
0x9f: {  	v24 =	vld [tilespmem:$0xDF0];
	v1 =	vadd.f32 v15, v1  }
0xa0: {  	v26 =	vld [tilespmem:$0xF80];
	v25 =	vmul.f32 v18, v17;
	v0 =	vadd.f32 v22, v0  }
0xa1: {  	v27 =	vld [tilespmem:$0xE00];
	v1 =	vadd.f32 v18, v1  }
0xa2: {  	v29 =	vld [tilespmem:$0xF90];
	v28 =	vmul.f32 v21, v20;
	v0 =	vadd.f32 v25, v0  }
0xa3: {  	v30 =	vld [tilespmem:$0xE10];
	v1 =	vadd.f32 v21, v1  }
0xa4: {  	v32 =	vld [tilespmem:$0xFA0];
	v31 =	vmul.f32 v24, v23;
	v0 =	vadd.f32 v28, v0  }
0xa5: {  	v33 =	vld [tilespmem:$0xE20];
	v1 =	vadd.f32 v24, v1  }
0xa6: {  	v35 =	vld [tilespmem:$0xFB0];
	v34 =	vmul.f32 v27, v26;
	v0 =	vadd.f32 v31, v0  }
0xa7: {  	v36 =	vld [tilespmem:$0xE30];
	v1 =	vadd.f32 v27, v1  }
0xa8: {  	v38 =	vld [tilespmem:$0xFC0];
	v37 =	vmul.f32 v30, v29;
	v0 =	vadd.f32 v34, v0  }
0xa9: {  	v39 =	vld [tilespmem:$0xE40];
	v1 =	vadd.f32 v30, v1  }
0xaa: {  	v41 =	vld [tilespmem:$0xFD0];
	v40 =	vmul.f32 v33, v32;
	v0 =	vadd.f32 v37, v0  }
0xab: {  	v42 =	vld [tilespmem:$0xE50];
	v1 =	vadd.f32 v33, v1  }
0xac: {  	v44 =	vld [tilespmem:$0xFE0];
	v43 =	vmul.f32 v36, v35;
	v0 =	vadd.f32 v40, v0  }
0xad: {  	v45 =	vld [tilespmem:$0xE60];
	v1 =	vadd.f32 v36, v1  }
0xae: {  	v47 =	vld [tilespmem:$0xFF0];
	v46 =	vmul.f32 v39, v38;
	v0 =	vadd.f32 v43, v0  }
0xaf: {  	v48 =	vld [tilespmem:$0xE70];
	v1 =	vadd.f32 v39, v1  }
0xb0: {  	v50 =	vld [tilespmem:$0x1000];
	v49 =	vmul.f32 v42, v41;
	v0 =	vadd.f32 v46, v0  }
0xb1: {  	v51 =	vld [tilespmem:$0xE80];
	v1 =	vadd.f32 v42, v1  }
0xb2: {  	v53 =	vld [tilespmem:$0x1010];
	v52 =	vmul.f32 v45, v44;
	v0 =	vadd.f32 v49, v0  }
0xb3: {  	v54 =	vld [tilespmem:$0xE90];
	v1 =	vadd.f32 v45, v1  }
0xb4: {  	v56 =	vld [tilespmem:$0x1020];
	v55 =	vmul.f32 v48, v47;
	v0 =	vadd.f32 v52, v0  }
0xb5: {  	v57 =	vld [tilespmem:$0xEA0];
	v1 =	vadd.f32 v48, v1  }
0xb6: {  	v58 =	vmul.f32 v51, v50;
	v59 =	vld [tilespmem:$0x1030];
	v0 =	vadd.f32 v55, v0  }
0xb7: {  	v60 =	vld [tilespmem:$0xEB0];
	v1 =	vadd.f32 v51, v1  }
0xb8: {  	v61 =	vmul.f32 v54, v53;
	v0 =	vadd.f32 v58, v0  }
0xb9: {  	v1 =	vadd.f32 v54, v1  }
0xba: {  	v62 =	vmul.f32 v57, v56;
	v0 =	vadd.f32 v61, v0  }
0xbb: {  	v1 =	vadd.f32 v57, v1  }
0xbc: {  	v63 =	vmul.f32 v60, v59;
	v0 =	vadd.f32 v62, v0  }
0xbd: {  	v1 =	vadd.f32 v60, v1  }
0xbe: {  	v0 =	vadd.f32 v63, v0  }
0xbf: {  	s28 =	sadd.s32 $0x2600, s3;
	[tilespmem:$0x1100] =	vst v1  }
0xc0: {  	s29 =	simm.s32 $0x1080;
	s6 =	sadd.s32 s28, s19;
	[tilespmem:$0x1080] =	vst v0  }
0xc1: {  	[hbm4b:s6+s2] =	stream.linear.scatter [tilespmem:s29], [sflag:$0x2], $0x80, $0x38;
	[tilespmem:$0x1180] =	vst v63  }
0xc2: {  	_ =	swait.ge [sflag:s18], $0x80  }
0xc3: {  	s30 =	sadd.s32 $0x2800, s3;
	[sflag:s18] =	ssyncset.done $0x0  }
0xc4: {  	s31 =	simm.s32 $0x1100;
	s3 =	sadd.s32 s30, s19;
	[sflag:s18] =	ssyncadd.s32 $0xFFFFFF80  }
0xc5: {  	[hbm4b:s3+s2] =	stream.linear.scatter [tilespmem:s31], [sflag:$0x2], $0x80, $0x38;
	[tilespmem:$0x1180] =	vst v63  }
0xc6: {  	_ =	swait.ge [sflag:s18], $0x80  }
0xc7: {  	[sflag:s18] =	ssyncset.done $0x0  }
0xc8: {  	[sflag:s18] =	ssyncadd.s32 $0xFFFFFF80  }
.LBB2_2:
0xc9: {  	_ =	sfence.sel $0x180000  }
0xca: {  	[bflag:$0x0] =	sbarrier.arrive $0xFFFF  }
0xcb: {  	p0 =	sne.s32 s1, $0x0;
	_ =	strace $0x90000047  }
0xcc: {  	s0 =	sadd.s32 @!p0 $0x100000, s0;
	[bflag:$0x2] =	sbarrier.arrive $0xFFFF  }
0xcd: {  	[sflag:s0] =	ssyncadd.tile.s32 @!p0 $0x1;
	_ =	shalt  }
.Lfunc_end2:
_tile_overlayer_lowered:
.L_overlay_start_2:
0xce: {  	(tag) =	ssettag $0x2  }
0xcf: {  	s0 =	rddreg [dreg:$0x0];
	s2 =	stileid.u32  }
0xd0: {  	s1 =	rddreg [dreg:$0x1];
	p0 =	sne.s32 s2, $0x0  }
0xd1: {  	s3 =	rddreg [dreg:$0x2];
	[bflag:$0x3] =	sbarrier.arrive $0xFFFF;
	s2 =	simm.s32 @!p0 $0x1C02  }
0xd2: {  	[timem:s3], [sflag:s2] =	dma.local @!p0 [hbm:s0], s1  }
0xd3: {  	s0 =	simm.s32 @!p0 $0x2  }
0xd4: {  	_ =	swait.ge @!p0 [sflag:s0], s1  }
0xd5: {  	s1 =	ssub.s32 @!p0 $0x0, s1;
	[sflag:s0] =	ssyncset.done @!p0 $0x0  }
0xd6: {  	[sflag:s0] =	ssyncadd.s32 @!p0 s1  }
0xd7: {  	[bflag:$0x3] =	sbarrier.arrive $0xFFFF  }
0xd8: {  	_ =	shalt  }

</sc_bundles>
